<compile_context>
chip_gen: v7x
topology: tpu7x:2x2x1
jax: 0.10.2.dev20260603
libtpu: 0.0.44.dev20260713+nightly
codegen_flags: <defaults>
</compile_context>

<pallas_src>
import functools

import jax
import jax.numpy as jnp
import numpy as np
from jax import lax
from jax.experimental import pallas as pl
from jax.experimental.pallas import tpu as pltpu
from jax.experimental.pallas import tpu_sc as plsc

N = 50000
NUM_FEATURES = 3
NUM_THETAS = 32
BUMP_STEPS = 32
R = 1.1
NUM_SEGMENTS = 128
DELTA = 2.0 * R / (BUMP_STEPS - 1)

L = 16
CHUNK = 3200
NPAD = 51200
NCHUNK = NPAD // CHUNK
ITERS = CHUNK // L
HROWS = BUMP_STEPS + 1
HSTRIDE = HROWS * NUM_SEGMENTS + 1
PARW = 128
OUTW = BUMP_STEPS * NUM_SEGMENTS


def _sc_body(xt_hbm, idx_hbm, par_hbm, out_hbm,
             xb0, xb1, ib0, ib1, pv, hist, outb,
             sx0, sx1, si0, si1, sp):
    c_id = lax.axis_index("c")
    s_id = lax.axis_index("s")
    tid = s_id * 2 + c_id

    pltpu.async_copy(par_hbm.at[pl.ds(tid * PARW, PARW)], pv, sp).wait()

    @plsc.parallel_loop(0, L * HSTRIDE, step=L, unroll=8)
    def _zero(k):
        hist[pl.ds(k, L)] = jnp.zeros((L,), jnp.float32)

    v0 = pv[pl.ds(0, L)]
    v1 = pv[pl.ds(L, L)]
    v2 = pv[pl.ds(2 * L, L)]
    a = pv[pl.ds(3 * L, L)]
    c0 = pv[pl.ds(4 * L, L)]
    c1 = pv[pl.ds(5 * L, L)]
    lane_off = lax.iota(jnp.int32, L) * HSTRIDE
    half_bumps = jnp.float32(0.5 * (BUMP_STEPS - 1) + 0.5)

    xbufs, ibufs, sxs, sis = (xb0, xb1), (ib0, ib1), (sx0, sx1), (si0, si1)

    def _start(c):
        b = c % 2
        cx = pltpu.async_copy(
            xt_hbm.at[:, pl.ds(c * CHUNK, CHUNK)], xbufs[b], sxs[b])
        ci = pltpu.async_copy(
            idx_hbm.at[pl.ds(c * CHUNK, CHUNK)], ibufs[b], sis[b])
        return cx, ci

    def _process(c, masked):
        b = c % 2
        xb, ib = xbufs[b], ibufs[b]

        @plsc.parallel_loop(0, CHUNK, step=L, unroll=8)
        def _iter(i):
            sl = pl.ds(i, L)
            x0 = xb[0, sl]
            hist[pl.ds(0, L)] = x0

    pending = _start(0)
    pending[0].wait()
    pending[1].wait()
    _process(0, masked=False)

    def _prefix(j, run):
        new = []
        for c8 in range(NUM_SEGMENTS // L):
            acc = run[c8]
            for l in range(L):
                acc = acc + hist[pl.ds(l * HSTRIDE + j * NUM_SEGMENTS
                                       + c8 * L, L)]
            outb[pl.ds(j * NUM_SEGMENTS + c8 * L, L)] = acc
            new.append(acc)
        return tuple(new)

    lax.fori_loop(0, BUMP_STEPS, _prefix,
                  tuple(jnp.zeros((L,), jnp.float32)
                        for _ in range(NUM_SEGMENTS // L)))

    pltpu.sync_copy(outb, out_hbm.at[pl.ds(tid * OUTW, OUTW)])


@jax.jit
def kernel(x, index, v, scale):
    scale_f = jnp.asarray(scale, jnp.float32)
    c0 = scale_f * jnp.float32(DELTA)
    ones = jnp.ones((L,), jnp.float32)
    zeros32 = jnp.zeros((PARW - 6 * L,), jnp.float32)
    par = jnp.concatenate([
        jnp.concatenate([
            v[0, t] * scale_f * ones,
            v[1, t] * scale_f * ones,
            v[2, t] * scale_f * ones,
            (1.0 / c0) * ones,
            c0 * ones,
            (-scale_f * jnp.float32(R)) * ones,
            zeros32,
        ])
        for t in range(NUM_THETAS)
    ])
    xt = jnp.broadcast_to(x[:1, :1], (3, NPAD)) + 0.0
    idxp = jnp.pad(index, (0, NPAD - N), constant_values=NUM_SEGMENTS)

    mesh = plsc.VectorSubcoreMesh(core_axis_name="c", subcore_axis_name="s")
    outT = pl.kernel(
        _sc_body,
        out_type=jax.ShapeDtypeStruct((NUM_THETAS * OUTW,), jnp.float32),
        mesh=mesh,
        compiler_params=pltpu.CompilerParams(needs_layout_passes=False),
        scratch_types=[
            pltpu.VMEM((NUM_FEATURES, CHUNK), jnp.float32),
            pltpu.VMEM((NUM_FEATURES, CHUNK), jnp.float32),
            pltpu.VMEM((CHUNK,), jnp.int32),
            pltpu.VMEM((CHUNK,), jnp.int32),
            pltpu.VMEM((PARW,), jnp.float32),
            pltpu.VMEM((L * HSTRIDE,), jnp.float32),
            pltpu.VMEM((OUTW,), jnp.float32),
            pltpu.SemaphoreType.DMA,
            pltpu.SemaphoreType.DMA,
            pltpu.SemaphoreType.DMA,
            pltpu.SemaphoreType.DMA,
            pltpu.SemaphoreType.DMA,
        ],
    )(xt, idxp, par)
    return jnp.transpose(
        outT.reshape(NUM_THETAS, BUMP_STEPS, NUM_SEGMENTS), (2, 1, 0))

# --- scband reference (transcript-rebuilt; emitter-appended) ---
"""Pipeline reference for scband-ect-layer-79388175499651 (READ-ONLY COPY).

The authoritative reference and input builder live on the scoring server;
editing this copy changes nothing except your own understanding.
"""

import jax, jax.numpy as jnp
import numpy as np

N = 50000
NUM_FEATURES = 3
NUM_THETAS = 32
BUMP_STEPS = 32
R = 1.1
NUM_SEGMENTS = 128


def setup_inputs(seed: int = 0) -> dict:
    key = jax.random.key(seed)
    k1, k2, k3 = jax.random.split(key, 3)
    x = jax.random.normal(k1, (N, NUM_FEATURES), dtype=jnp.float32)
    index = jnp.sort(jax.random.randint(k2, (N,), 0, NUM_SEGMENTS, dtype=jnp.int32))
    v = jax.random.normal(k3, (NUM_FEATURES, NUM_THETAS), dtype=jnp.float32)
    return {"x": x, "index": index, "v": v, "scale": 500}


def reference(x, index, v, scale=500):
    # lin: linspace(-r, r, bump_steps) viewed as [bump_steps, 1, 1]
    lin = jnp.linspace(-R, R, BUMP_STEPS, dtype=jnp.float32).reshape(-1, 1, 1)
    # compute_ect_points: node heights
    nh = x @ v  # [N, T]
    # compute_ecc: sigmoid(scale * (lin - nh)) -> [bump, N, T]
    ecc = jax.nn.sigmoid(jnp.float32(scale) * (lin - nh))
    # torch.index_add(out, 1, index, ecc).movedim(0, 1) -> [B, bump, T]
    ecc_m = jnp.moveaxis(ecc, 1, 0)  # [N, bump, T]
    ect = jax.ops.segment_sum(ecc_m, index, num_segments=NUM_SEGMENTS)  # [B, bump, T]
    # config.normalized = False, so return directly
    return ect

if __name__ == "__main__":
    import jax
    _d = setup_inputs()
    print(jax.jit(kernel)(*tuple(_d.values())))

</pallas_src>

<mosaic_0001>
#map = affine_map<(d0, d1) -> (0, 0)>
#map1 = affine_map<(d0, d1) -> (0)>
module attributes {stable_mosaic.version = 14 : i64} {
  func.func @_sc_body(%arg0: i32, %arg1: i32, %arg2: memref<3x51200xf32, #tpu.memory_space<hbm>>, %arg3: memref<51200xi32, #tpu.memory_space<hbm>>, %arg4: memref<4096xf32, #tpu.memory_space<hbm>>, %arg5: memref<131072xf32, #tpu.memory_space<hbm>>, %arg6: memref<3x3200xf32, #tpu.memory_space<vmem>>, %arg7: memref<3x3200xf32, #tpu.memory_space<vmem>>, %arg8: memref<3200xi32, #tpu.memory_space<vmem>>, %arg9: memref<3200xi32, #tpu.memory_space<vmem>>, %arg10: memref<128xf32, #tpu.memory_space<vmem>>, %arg11: memref<67600xf32, #tpu.memory_space<vmem>>, %arg12: memref<4096xf32, #tpu.memory_space<vmem>>, %arg13: memref<!tpu.dma_semaphore, #tpu.memory_space<semaphore_mem>>, %arg14: memref<!tpu.dma_semaphore, #tpu.memory_space<semaphore_mem>>, %arg15: memref<!tpu.dma_semaphore, #tpu.memory_space<semaphore_mem>>, %arg16: memref<!tpu.dma_semaphore, #tpu.memory_space<semaphore_mem>>, %arg17: memref<!tpu.dma_semaphore, #tpu.memory_space<semaphore_mem>>) attributes {dimension_semantics = [#tpu.dimension_semantics<core_parallel>, #tpu.dimension_semantics<subcore_parallel>], iteration_bounds = array<i64: 2, 16>, scalar_prefetch = 0 : i64, scratch_operands = 12 : i64, tpu.core_type = #tpu.core_type<sc_vector_subcore>, window_params = [{transform_indices = #map}, {transform_indices = #map1}, {transform_indices = #map1}, {transform_indices = #map1}]} {
    %mul3A = arith.constant 2 : i32
    %mul3A_0 = arith.muli %arg1, %mul3A : i32
    %add3A = arith.addi %mul3A_0, %arg0 : i32
    %mul3A_1 = arith.constant 128 : i32
    %mul3A_2 = arith.muli %add3A, %mul3A_1 : i32
    %dma_start3A = tpu.memref_slice %arg4[%mul3A_2] : memref<4096xf32, #tpu.memory_space<hbm>> -> memref<128xf32, #tpu.memory_space<hbm>>
    %dma_start3A_3 = tpu.memref_slice %arg4[%mul3A_2] : memref<4096xf32, #tpu.memory_space<hbm>> -> memref<128xf32, #tpu.memory_space<hbm>>
    tpu.enqueue_dma source(%dma_start3A_3 : memref<128xf32, #tpu.memory_space<hbm>>) target(%arg10 : memref<128xf32, #tpu.memory_space<vmem>>) target_semaphore(%arg17 : memref<!tpu.dma_semaphore, #tpu.memory_space<semaphore_mem>>)
    %dma_wait3A = tpu.memref_slice %arg4[%mul3A_2] : memref<4096xf32, #tpu.memory_space<hbm>> -> memref<128xf32, #tpu.memory_space<hbm>>
    %dma_wait3A_4 = tpu.memref_slice %arg4[%mul3A_2] : memref<4096xf32, #tpu.memory_space<hbm>> -> memref<128xf32, #tpu.memory_space<hbm>>
    tpu.wait_dma2 semaphore(%arg17 : memref<!tpu.dma_semaphore, #tpu.memory_space<semaphore_mem>>) src(%dma_wait3A_4 : memref<128xf32, #tpu.memory_space<hbm>>) dst(%arg10 : memref<128xf32, #tpu.memory_space<vmem>>)
    %parallel_loop3A = arith.constant 0 : i32
    %parallel_loop3A_5 = arith.constant 67600 : i32
    %parallel_loop3A_6 = arith.constant 16 : i32
    scf.for %parallel_loop3A_66 = %parallel_loop3A to %parallel_loop3A_5 step %parallel_loop3A_6  : i32 {
      %parallel_loop3A_67 = arith.constant 0.000000e+00 : f32
      %parallel_loop3A_68 = vector.broadcast %parallel_loop3A_67 : f32 to vector<16xf32>
      %parallel_loop3A_69 = arith.index_cast %parallel_loop3A_66 : i32 to index
      %parallel_loop3A_70 = tpu.vector_load %arg11[%parallel_loop3A_69] {strides = array<i32>} : memref<67600xf32, #tpu.memory_space<vmem>>, vector<16xf32>,
      tpu.vector_store %arg11[%parallel_loop3A_69], %parallel_loop3A_68 {strides = array<i32>} : memref<67600xf32, #tpu.memory_space<vmem>>, vector<16xf32>,
    } {sc.loop_unroll_factor = 8 : i64, sc.parallel_access}
    %get3A = arith.constant 0 : index
    %get3A_7 = tpu.vector_load %arg10[%get3A] {strides = array<i32>} : memref<128xf32, #tpu.memory_space<vmem>>, vector<16xf32>,
    %get3A_8 = arith.constant 16 : index
    %get3A_9 = tpu.vector_load %arg10[%get3A_8] {strides = array<i32>} : memref<128xf32, #tpu.memory_space<vmem>>, vector<16xf32>,
    %get3A_10 = arith.constant 32 : index
    %get3A_11 = tpu.vector_load %arg10[%get3A_10] {strides = array<i32>} : memref<128xf32, #tpu.memory_space<vmem>>, vector<16xf32>,
    %get3A_12 = arith.constant 48 : index
    %get3A_13 = tpu.vector_load %arg10[%get3A_12] {strides = array<i32>} : memref<128xf32, #tpu.memory_space<vmem>>, vector<16xf32>,
    %get3A_14 = arith.constant 64 : index
    %get3A_15 = tpu.vector_load %arg10[%get3A_14] {strides = array<i32>} : memref<128xf32, #tpu.memory_space<vmem>>, vector<16xf32>,
    %get3A_16 = arith.constant 80 : index
    %get3A_17 = tpu.vector_load %arg10[%get3A_16] {strides = array<i32>} : memref<128xf32, #tpu.memory_space<vmem>>, vector<16xf32>,
    %iota3A = tpu.iota {dimensions = array<i32: 0>} : vector<16xi32>
    %mul3A_18 = arith.constant 4225 : i32
    %mul3A_19 = vector.broadcast %mul3A_18 : i32 to vector<16xi32>
    %mul3A_20 = arith.muli %iota3A, %mul3A_19 : vector<16xi32>
    %dma_start3A_21 = arith.constant 0 : i32
    %dma_start3A_22 = arith.constant 0 : i32
    %dma_start3A_23 = tpu.memref_slice %arg2[%dma_start3A_21, %dma_start3A_22] : memref<3x51200xf32, #tpu.memory_space<hbm>> -> memref<3x3200xf32, #tpu.memory_space<hbm>>
    %dma_start3A_24 = arith.constant 0 : i32
    %dma_start3A_25 = arith.constant 0 : i32
    %dma_start3A_26 = tpu.memref_slice %arg2[%dma_start3A_24, %dma_start3A_25] : memref<3x51200xf32, #tpu.memory_space<hbm>> -> memref<3x3200xf32, #tpu.memory_space<hbm>>
    tpu.enqueue_dma source(%dma_start3A_26 : memref<3x3200xf32, #tpu.memory_space<hbm>>) target(%arg6 : memref<3x3200xf32, #tpu.memory_space<vmem>>) target_semaphore(%arg13 : memref<!tpu.dma_semaphore, #tpu.memory_space<semaphore_mem>>)
    %dma_start3A_27 = arith.constant 0 : i32
    %dma_start3A_28 = tpu.memref_slice %arg3[%dma_start3A_27] : memref<51200xi32, #tpu.memory_space<hbm>> -> memref<3200xi32, #tpu.memory_space<hbm>>
    %dma_start3A_29 = arith.constant 0 : i32
    %dma_start3A_30 = tpu.memref_slice %arg3[%dma_start3A_29] : memref<51200xi32, #tpu.memory_space<hbm>> -> memref<3200xi32, #tpu.memory_space<hbm>>
    tpu.enqueue_dma source(%dma_start3A_30 : memref<3200xi32, #tpu.memory_space<hbm>>) target(%arg8 : memref<3200xi32, #tpu.memory_space<vmem>>) target_semaphore(%arg15 : memref<!tpu.dma_semaphore, #tpu.memory_space<semaphore_mem>>)
    %dma_wait3A_31 = arith.constant 0 : i32
    %dma_wait3A_32 = arith.constant 0 : i32
    %dma_wait3A_33 = tpu.memref_slice %arg2[%dma_wait3A_31, %dma_wait3A_32] : memref<3x51200xf32, #tpu.memory_space<hbm>> -> memref<3x3200xf32, #tpu.memory_space<hbm>>
    %dma_wait3A_34 = arith.constant 0 : i32
    %dma_wait3A_35 = arith.constant 0 : i32
    %dma_wait3A_36 = tpu.memref_slice %arg2[%dma_wait3A_34, %dma_wait3A_35] : memref<3x51200xf32, #tpu.memory_space<hbm>> -> memref<3x3200xf32, #tpu.memory_space<hbm>>
    tpu.wait_dma2 semaphore(%arg13 : memref<!tpu.dma_semaphore, #tpu.memory_space<semaphore_mem>>) src(%dma_wait3A_36 : memref<3x3200xf32, #tpu.memory_space<hbm>>) dst(%arg6 : memref<3x3200xf32, #tpu.memory_space<vmem>>)
    %dma_wait3A_37 = arith.constant 0 : i32
    %dma_wait3A_38 = tpu.memref_slice %arg3[%dma_wait3A_37] : memref<51200xi32, #tpu.memory_space<hbm>> -> memref<3200xi32, #tpu.memory_space<hbm>>
    %dma_wait3A_39 = arith.constant 0 : i32
    %dma_wait3A_40 = tpu.memref_slice %arg3[%dma_wait3A_39] : memref<51200xi32, #tpu.memory_space<hbm>> -> memref<3200xi32, #tpu.memory_space<hbm>>
    tpu.wait_dma2 semaphore(%arg15 : memref<!tpu.dma_semaphore, #tpu.memory_space<semaphore_mem>>) src(%dma_wait3A_40 : memref<3200xi32, #tpu.memory_space<hbm>>) dst(%arg8 : memref<3200xi32, #tpu.memory_space<vmem>>)
    %parallel_loop3A_41 = arith.constant 0 : i32
    %parallel_loop3A_42 = arith.constant 3200 : i32
    %parallel_loop3A_43 = arith.constant 16 : i32
    scf.for %parallel_loop3A_66 = %parallel_loop3A_41 to %parallel_loop3A_42 step %parallel_loop3A_43  : i32 {
      %parallel_loop3A_67 = arith.constant 0 : i32
      %parallel_loop3A_68 = arith.index_cast %parallel_loop3A_67 : i32 to index
      %parallel_loop3A_69 = arith.index_cast %parallel_loop3A_66 : i32 to index
      %parallel_loop3A_70 = tpu.vector_load %arg6[%parallel_loop3A_68, %parallel_loop3A_69] {strides = array<i32>} : memref<3x3200xf32, #tpu.memory_space<vmem>>, vector<16xf32>,
      %parallel_loop3A_71 = arith.constant 0 : index
      %parallel_loop3A_72 = tpu.vector_load %arg11[%parallel_loop3A_71] {strides = array<i32>} : memref<67600xf32, #tpu.memory_space<vmem>>, vector<16xf32>,
      tpu.vector_store %arg11[%parallel_loop3A_71], %parallel_loop3A_70 {strides = array<i32>} : memref<67600xf32, #tpu.memory_space<vmem>>, vector<16xf32>,
    } {sc.loop_unroll_factor = 8 : i64, sc.parallel_access}
    %broadcast_in_dim3A = arith.constant 0.000000e+00 : f32
    %broadcast_in_dim3A_44 = vector.broadcast %broadcast_in_dim3A : f32 to vector<16xf32>
    %broadcast_in_dim3A_45 = arith.constant 0.000000e+00 : f32
    %broadcast_in_dim3A_46 = vector.broadcast %broadcast_in_dim3A_45 : f32 to vector<16xf32>
    %broadcast_in_dim3A_47 = arith.constant 0.000000e+00 : f32
    %broadcast_in_dim3A_48 = vector.broadcast %broadcast_in_dim3A_47 : f32 to vector<16xf32>
    %broadcast_in_dim3A_49 = arith.constant 0.000000e+00 : f32
    %broadcast_in_dim3A_50 = vector.broadcast %broadcast_in_dim3A_49 : f32 to vector<16xf32>
    %broadcast_in_dim3A_51 = arith.constant 0.000000e+00 : f32
    %broadcast_in_dim3A_52 = vector.broadcast %broadcast_in_dim3A_51 : f32 to vector<16xf32>
    %broadcast_in_dim3A_53 = arith.constant 0.000000e+00 : f32
    %broadcast_in_dim3A_54 = vector.broadcast %broadcast_in_dim3A_53 : f32 to vector<16xf32>
    %broadcast_in_dim3A_55 = arith.constant 0.000000e+00 : f32
    %broadcast_in_dim3A_56 = vector.broadcast %broadcast_in_dim3A_55 : f32 to vector<16xf32>
    %broadcast_in_dim3A_57 = arith.constant 0.000000e+00 : f32
    %broadcast_in_dim3A_58 = vector.broadcast %broadcast_in_dim3A_57 : f32 to vector<16xf32>
    %scan3A = arith.constant 0 : i32
    %scan3A_59 = arith.constant 32 : i32
    %scan3A_60 = arith.addi %scan3A, %scan3A_59 : i32
    %scan3A_61 = arith.constant 1 : i32
    %scan3A_62:8 = scf.for %scan3A_66 = %scan3A to %scan3A_60 step %scan3A_61 iter_args(%scan3A_67 = %broadcast_in_dim3A_44, %scan3A_68 = %broadcast_in_dim3A_46, %scan3A_69 = %broadcast_in_dim3A_48, %scan3A_70 = %broadcast_in_dim3A_50, %scan3A_71 = %broadcast_in_dim3A_52, %scan3A_72 = %broadcast_in_dim3A_54, %scan3A_73 = %broadcast_in_dim3A_56, %scan3A_74 = %broadcast_in_dim3A_58) -> (vector<16xf32>, vector<16xf32>, vector<16xf32>, vector<16xf32>, vector<16xf32>, vector<16xf32>, vector<16xf32>, vector<16xf32>)  : i32 {
      %mul3A_75 = arith.constant 128 : i32
      %mul3A_76 = arith.muli %scan3A_66, %mul3A_75 : i32
      %add3A_77 = arith.constant 0 : i32
      %add3A_78 = arith.addi %add3A_77, %mul3A_76 : i32
      %add3A_79 = arith.constant 0 : i32
      %add3A_80 = arith.addi %add3A_78, %add3A_79 : i32
      %get3A_81 = arith.index_cast %add3A_80 : i32 to index
      %get3A_82 = tpu.vector_load %arg11[%get3A_81] {strides = array<i32>} : memref<67600xf32, #tpu.memory_space<vmem>>, vector<16xf32>,
      %add3A_83 = arith.addf %scan3A_67, %get3A_82 : vector<16xf32>
      %mul3A_84 = arith.constant 128 : i32
      %mul3A_85 = arith.muli %scan3A_66, %mul3A_84 : i32
      %add3A_86 = arith.constant 4225 : i32
      %add3A_87 = arith.addi %add3A_86, %mul3A_85 : i32
      %add3A_88 = arith.constant 0 : i32
      %add3A_89 = arith.addi %add3A_87, %add3A_88 : i32
      %get3A_90 = arith.index_cast %add3A_89 : i32 to index
      %get3A_91 = tpu.vector_load %arg11[%get3A_90] {strides = array<i32>} : memref<67600xf32, #tpu.memory_space<vmem>>, vector<16xf32>,
      %add3A_92 = arith.addf %add3A_83, %get3A_91 : vector<16xf32>
      %mul3A_93 = arith.constant 128 : i32
      %mul3A_94 = arith.muli %scan3A_66, %mul3A_93 : i32
      %add3A_95 = arith.constant 8450 : i32
      %add3A_96 = arith.addi %add3A_95, %mul3A_94 : i32
      %add3A_97 = arith.constant 0 : i32
      %add3A_98 = arith.addi %add3A_96, %add3A_97 : i32
      %get3A_99 = arith.index_cast %add3A_98 : i32 to index
      %get3A_100 = tpu.vector_load %arg11[%get3A_99] {strides = array<i32>} : memref<67600xf32, #tpu.memory_space<vmem>>, vector<16xf32>,
      %add3A_101 = arith.addf %add3A_92, %get3A_100 : vector<16xf32>
      %mul3A_102 = arith.constant 128 : i32
      %mul3A_103 = arith.muli %scan3A_66, %mul3A_102 : i32
      %add3A_104 = arith.constant 12675 : i32
      %add3A_105 = arith.addi %add3A_104, %mul3A_103 : i32
      %add3A_106 = arith.constant 0 : i32
      %add3A_107 = arith.addi %add3A_105, %add3A_106 : i32
      %get3A_108 = arith.index_cast %add3A_107 : i32 to index
      %get3A_109 = tpu.vector_load %arg11[%get3A_108] {strides = array<i32>} : memref<67600xf32, #tpu.memory_space<vmem>>, vector<16xf32>,
      %add3A_110 = arith.addf %add3A_101, %get3A_109 : vector<16xf32>
      %mul3A_111 = arith.constant 128 : i32
      %mul3A_112 = arith.muli %scan3A_66, %mul3A_111 : i32
      %add3A_113 = arith.constant 16900 : i32
      %add3A_114 = arith.addi %add3A_113, %mul3A_112 : i32
      %add3A_115 = arith.constant 0 : i32
      %add3A_116 = arith.addi %add3A_114, %add3A_115 : i32
      %get3A_117 = arith.index_cast %add3A_116 : i32 to index
      %get3A_118 = tpu.vector_load %arg11[%get3A_117] {strides = array<i32>} : memref<67600xf32, #tpu.memory_space<vmem>>, vector<16xf32>,
      %add3A_119 = arith.addf %add3A_110, %get3A_118 : vector<16xf32>
      %mul3A_120 = arith.constant 128 : i32
      %mul3A_121 = arith.muli %scan3A_66, %mul3A_120 : i32
      %add3A_122 = arith.constant 21125 : i32
      %add3A_123 = arith.addi %add3A_122, %mul3A_121 : i32
      %add3A_124 = arith.constant 0 : i32
      %add3A_125 = arith.addi %add3A_123, %add3A_124 : i32
      %get3A_126 = arith.index_cast %add3A_125 : i32 to index
      %get3A_127 = tpu.vector_load %arg11[%get3A_126] {strides = array<i32>} : memref<67600xf32, #tpu.memory_space<vmem>>, vector<16xf32>,
      %add3A_128 = arith.addf %add3A_119, %get3A_127 : vector<16xf32>
      %mul3A_129 = arith.constant 128 : i32
      %mul3A_130 = arith.muli %scan3A_66, %mul3A_129 : i32
      %add3A_131 = arith.constant 25350 : i32
      %add3A_132 = arith.addi %add3A_131, %mul3A_130 : i32
      %add3A_133 = arith.constant 0 : i32
      %add3A_134 = arith.addi %add3A_132, %add3A_133 : i32
      %get3A_135 = arith.index_cast %add3A_134 : i32 to index
      %get3A_136 = tpu.vector_load %arg11[%get3A_135] {strides = array<i32>} : memref<67600xf32, #tpu.memory_space<vmem>>, vector<16xf32>,
      %add3A_137 = arith.addf %add3A_128, %get3A_136 : vector<16xf32>
      %mul3A_138 = arith.constant 128 : i32
      %mul3A_139 = arith.muli %scan3A_66, %mul3A_138 : i32
      %add3A_140 = arith.constant 29575 : i32
      %add3A_141 = arith.addi %add3A_140, %mul3A_139 : i32
      %add3A_142 = arith.constant 0 : i32
      %add3A_143 = arith.addi %add3A_141, %add3A_142 : i32
      %get3A_144 = arith.index_cast %add3A_143 : i32 to index
      %get3A_145 = tpu.vector_load %arg11[%get3A_144] {strides = array<i32>} : memref<67600xf32, #tpu.memory_space<vmem>>, vector<16xf32>,
      %add3A_146 = arith.addf %add3A_137, %get3A_145 : vector<16xf32>
      %mul3A_147 = arith.constant 128 : i32
      %mul3A_148 = arith.muli %scan3A_66, %mul3A_147 : i32
      %add3A_149 = arith.constant 33800 : i32
      %add3A_150 = arith.addi %add3A_149, %mul3A_148 : i32
      %add3A_151 = arith.constant 0 : i32
      %add3A_152 = arith.addi %add3A_150, %add3A_151 : i32
      %get3A_153 = arith.index_cast %add3A_152 : i32 to index
      %get3A_154 = tpu.vector_load %arg11[%get3A_153] {strides = array<i32>} : memref<67600xf32, #tpu.memory_space<vmem>>, vector<16xf32>,
      %add3A_155 = arith.addf %add3A_146, %get3A_154 : vector<16xf32>
      %mul3A_156 = arith.constant 128 : i32
      %mul3A_157 = arith.muli %scan3A_66, %mul3A_156 : i32
      %add3A_158 = arith.constant 38025 : i32
      %add3A_159 = arith.addi %add3A_158, %mul3A_157 : i32
      %add3A_160 = arith.constant 0 : i32
      %add3A_161 = arith.addi %add3A_159, %add3A_160 : i32
      %get3A_162 = arith.index_cast %add3A_161 : i32 to index
      %get3A_163 = tpu.vector_load %arg11[%get3A_162] {strides = array<i32>} : memref<67600xf32, #tpu.memory_space<vmem>>, vector<16xf32>,
      %add3A_164 = arith.addf %add3A_155, %get3A_163 : vector<16xf32>
      %mul3A_165 = arith.constant 128 : i32
      %mul3A_166 = arith.muli %scan3A_66, %mul3A_165 : i32
      %add3A_167 = arith.constant 42250 : i32
      %add3A_168 = arith.addi %add3A_167, %mul3A_166 : i32
      %add3A_169 = arith.constant 0 : i32
      %add3A_170 = arith.addi %add3A_168, %add3A_169 : i32
      %get3A_171 = arith.index_cast %add3A_170 : i32 to index
      %get3A_172 = tpu.vector_load %arg11[%get3A_171] {strides = array<i32>} : memref<67600xf32, #tpu.memory_space<vmem>>, vector<16xf32>,
      %add3A_173 = arith.addf %add3A_164, %get3A_172 : vector<16xf32>
      %mul3A_174 = arith.constant 128 : i32
      %mul3A_175 = arith.muli %scan3A_66, %mul3A_174 : i32
      %add3A_176 = arith.constant 46475 : i32
      %add3A_177 = arith.addi %add3A_176, %mul3A_175 : i32
      %add3A_178 = arith.constant 0 : i32
      %add3A_179 = arith.addi %add3A_177, %add3A_178 : i32
      %get3A_180 = arith.index_cast %add3A_179 : i32 to index
      %get3A_181 = tpu.vector_load %arg11[%get3A_180] {strides = array<i32>} : memref<67600xf32, #tpu.memory_space<vmem>>, vector<16xf32>,
      %add3A_182 = arith.addf %add3A_173, %get3A_181 : vector<16xf32>
      %mul3A_183 = arith.constant 128 : i32
      %mul3A_184 = arith.muli %scan3A_66, %mul3A_183 : i32
      %add3A_185 = arith.constant 50700 : i32
      %add3A_186 = arith.addi %add3A_185, %mul3A_184 : i32
      %add3A_187 = arith.constant 0 : i32
      %add3A_188 = arith.addi %add3A_186, %add3A_187 : i32
      %get3A_189 = arith.index_cast %add3A_188 : i32 to index
      %get3A_190 = tpu.vector_load %arg11[%get3A_189] {strides = array<i32>} : memref<67600xf32, #tpu.memory_space<vmem>>, vector<16xf32>,
      %add3A_191 = arith.addf %add3A_182, %get3A_190 : vector<16xf32>
      %mul3A_192 = arith.constant 128 : i32
      %mul3A_193 = arith.muli %scan3A_66, %mul3A_192 : i32
      %add3A_194 = arith.constant 54925 : i32
      %add3A_195 = arith.addi %add3A_194, %mul3A_193 : i32
      %add3A_196 = arith.constant 0 : i32
      %add3A_197 = arith.addi %add3A_195, %add3A_196 : i32
      %get3A_198 = arith.index_cast %add3A_197 : i32 to index
      %get3A_199 = tpu.vector_load %arg11[%get3A_198] {strides = array<i32>} : memref<67600xf32, #tpu.memory_space<vmem>>, vector<16xf32>,
      %add3A_200 = arith.addf %add3A_191, %get3A_199 : vector<16xf32>
      %mul3A_201 = arith.constant 128 : i32
      %mul3A_202 = arith.muli %scan3A_66, %mul3A_201 : i32
      %add3A_203 = arith.constant 59150 : i32
      %add3A_204 = arith.addi %add3A_203, %mul3A_202 : i32
      %add3A_205 = arith.constant 0 : i32
      %add3A_206 = arith.addi %add3A_204, %add3A_205 : i32
      %get3A_207 = arith.index_cast %add3A_206 : i32 to index
      %get3A_208 = tpu.vector_load %arg11[%get3A_207] {strides = array<i32>} : memref<67600xf32, #tpu.memory_space<vmem>>, vector<16xf32>,
      %add3A_209 = arith.addf %add3A_200, %get3A_208 : vector<16xf32>
      %mul3A_210 = arith.constant 128 : i32
      %mul3A_211 = arith.muli %scan3A_66, %mul3A_210 : i32
      %add3A_212 = arith.constant 63375 : i32
      %add3A_213 = arith.addi %add3A_212, %mul3A_211 : i32
      %add3A_214 = arith.constant 0 : i32
      %add3A_215 = arith.addi %add3A_213, %add3A_214 : i32
      %get3A_216 = arith.index_cast %add3A_215 : i32 to index
      %get3A_217 = tpu.vector_load %arg11[%get3A_216] {strides = array<i32>} : memref<67600xf32, #tpu.memory_space<vmem>>, vector<16xf32>,
      %add3A_218 = arith.addf %add3A_209, %get3A_217 : vector<16xf32>
      %mul3A_219 = arith.constant 128 : i32
      %mul3A_220 = arith.muli %scan3A_66, %mul3A_219 : i32
      %add3A_221 = arith.constant 0 : i32
      %add3A_222 = arith.addi %mul3A_220, %add3A_221 : i32
      %swap3A = arith.index_cast %add3A_222 : i32 to index
      %swap3A_223 = tpu.vector_load %arg12[%swap3A] {strides = array<i32>} : memref<4096xf32, #tpu.memory_space<vmem>>, vector<16xf32>,
      tpu.vector_store %arg12[%swap3A], %add3A_218 {strides = array<i32>} : memref<4096xf32, #tpu.memory_space<vmem>>, vector<16xf32>,
      %mul3A_224 = arith.constant 128 : i32
      %mul3A_225 = arith.muli %scan3A_66, %mul3A_224 : i32
      %add3A_226 = arith.constant 0 : i32
      %add3A_227 = arith.addi %add3A_226, %mul3A_225 : i32
      %add3A_228 = arith.constant 16 : i32
      %add3A_229 = arith.addi %add3A_227, %add3A_228 : i32
      %get3A_230 = arith.index_cast %add3A_229 : i32 to index
      %get3A_231 = tpu.vector_load %arg11[%get3A_230] {strides = array<i32>} : memref<67600xf32, #tpu.memory_space<vmem>>, vector<16xf32>,
      %add3A_232 = arith.addf %scan3A_68, %get3A_231 : vector<16xf32>
      %mul3A_233 = arith.constant 128 : i32
      %mul3A_234 = arith.muli %scan3A_66, %mul3A_233 : i32
      %add3A_235 = arith.constant 4225 : i32
      %add3A_236 = arith.addi %add3A_235, %mul3A_234 : i32
      %add3A_237 = arith.constant 16 : i32
      %add3A_238 = arith.addi %add3A_236, %add3A_237 : i32
      %get3A_239 = arith.index_cast %add3A_238 : i32 to index
      %get3A_240 = tpu.vector_load %arg11[%get3A_239] {strides = array<i32>} : memref<67600xf32, #tpu.memory_space<vmem>>, vector<16xf32>,
      %add3A_241 = arith.addf %add3A_232, %get3A_240 : vector<16xf32>
      %mul3A_242 = arith.constant 128 : i32
      %mul3A_243 = arith.muli %scan3A_66, %mul3A_242 : i32
      %add3A_244 = arith.constant 8450 : i32
      %add3A_245 = arith.addi %add3A_244, %mul3A_243 : i32
      %add3A_246 = arith.constant 16 : i32
      %add3A_247 = arith.addi %add3A_245, %add3A_246 : i32
      %get3A_248 = arith.index_cast %add3A_247 : i32 to index
      %get3A_249 = tpu.vector_load %arg11[%get3A_248] {strides = array<i32>} : memref<67600xf32, #tpu.memory_space<vmem>>, vector<16xf32>,
      %add3A_250 = arith.addf %add3A_241, %get3A_249 : vector<16xf32>
      %mul3A_251 = arith.constant 128 : i32
      %mul3A_252 = arith.muli %scan3A_66, %mul3A_251 : i32
      %add3A_253 = arith.constant 12675 : i32
      %add3A_254 = arith.addi %add3A_253, %mul3A_252 : i32
      %add3A_255 = arith.constant 16 : i32
      %add3A_256 = arith.addi %add3A_254, %add3A_255 : i32
      %get3A_257 = arith.index_cast %add3A_256 : i32 to index
      %get3A_258 = tpu.vector_load %arg11[%get3A_257] {strides = array<i32>} : memref<67600xf32, #tpu.memory_space<vmem>>, vector<16xf32>,
      %add3A_259 = arith.addf %add3A_250, %get3A_258 : vector<16xf32>
      %mul3A_260 = arith.constant 128 : i32
      %mul3A_261 = arith.muli %scan3A_66, %mul3A_260 : i32
      %add3A_262 = arith.constant 16900 : i32
      %add3A_263 = arith.addi %add3A_262, %mul3A_261 : i32
      %add3A_264 = arith.constant 16 : i32
      %add3A_265 = arith.addi %add3A_263, %add3A_264 : i32
      %get3A_266 = arith.index_cast %add3A_265 : i32 to index
      %get3A_267 = tpu.vector_load %arg11[%get3A_266] {strides = array<i32>} : memref<67600xf32, #tpu.memory_space<vmem>>, vector<16xf32>,
      %add3A_268 = arith.addf %add3A_259, %get3A_267 : vector<16xf32>
      %mul3A_269 = arith.constant 128 : i32
      %mul3A_270 = arith.muli %scan3A_66, %mul3A_269 : i32
      %add3A_271 = arith.constant 21125 : i32
      %add3A_272 = arith.addi %add3A_271, %mul3A_270 : i32
      %add3A_273 = arith.constant 16 : i32
      %add3A_274 = arith.addi %add3A_272, %add3A_273 : i32
      %get3A_275 = arith.index_cast %add3A_274 : i32 to index
      %get3A_276 = tpu.vector_load %arg11[%get3A_275] {strides = array<i32>} : memref<67600xf32, #tpu.memory_space<vmem>>, vector<16xf32>,
      %add3A_277 = arith.addf %add3A_268, %get3A_276 : vector<16xf32>
      %mul3A_278 = arith.constant 128 : i32
      %mul3A_279 = arith.muli %scan3A_66, %mul3A_278 : i32
      %add3A_280 = arith.constant 25350 : i32
      %add3A_281 = arith.addi %add3A_280, %mul3A_279 : i32
      %add3A_282 = arith.constant 16 : i32
      %add3A_283 = arith.addi %add3A_281, %add3A_282 : i32
      %get3A_284 = arith.index_cast %add3A_283 : i32 to index
      %get3A_285 = tpu.vector_load %arg11[%get3A_284] {strides = array<i32>} : memref<67600xf32, #tpu.memory_space<vmem>>, vector<16xf32>,
      %add3A_286 = arith.addf %add3A_277, %get3A_285 : vector<16xf32>
      %mul3A_287 = arith.constant 128 : i32
      %mul3A_288 = arith.muli %scan3A_66, %mul3A_287 : i32
      %add3A_289 = arith.constant 29575 : i32
      %add3A_290 = arith.addi %add3A_289, %mul3A_288 : i32
      %add3A_291 = arith.constant 16 : i32
      %add3A_292 = arith.addi %add3A_290, %add3A_291 : i32
      %get3A_293 = arith.index_cast %add3A_292 : i32 to index
      %get3A_294 = tpu.vector_load %arg11[%get3A_293] {strides = array<i32>} : memref<67600xf32, #tpu.memory_space<vmem>>, vector<16xf32>,
      %add3A_295 = arith.addf %add3A_286, %get3A_294 : vector<16xf32>
      %mul3A_296 = arith.constant 128 : i32
      %mul3A_297 = arith.muli %scan3A_66, %mul3A_296 : i32
      %add3A_298 = arith.constant 33800 : i32
      %add3A_299 = arith.addi %add3A_298, %mul3A_297 : i32
      %add3A_300 = arith.constant 16 : i32
      %add3A_301 = arith.addi %add3A_299, %add3A_300 : i32
      %get3A_302 = arith.index_cast %add3A_301 : i32 to index
      %get3A_303 = tpu.vector_load %arg11[%get3A_302] {strides = array<i32>} : memref<67600xf32, #tpu.memory_space<vmem>>, vector<16xf32>,
      %add3A_304 = arith.addf %add3A_295, %get3A_303 : vector<16xf32>
      %mul3A_305 = arith.constant 128 : i32
      %mul3A_306 = arith.muli %scan3A_66, %mul3A_305 : i32
      %add3A_307 = arith.constant 38025 : i32
      %add3A_308 = arith.addi %add3A_307, %mul3A_306 : i32
      %add3A_309 = arith.constant 16 : i32
      %add3A_310 = arith.addi %add3A_308, %add3A_309 : i32
      %get3A_311 = arith.index_cast %add3A_310 : i32 to index
      %get3A_312 = tpu.vector_load %arg11[%get3A_311] {strides = array<i32>} : memref<67600xf32, #tpu.memory_space<vmem>>, vector<16xf32>,
      %add3A_313 = arith.addf %add3A_304, %get3A_312 : vector<16xf32>
      %mul3A_314 = arith.constant 128 : i32
      %mul3A_315 = arith.muli %scan3A_66, %mul3A_314 : i32
      %add3A_316 = arith.constant 42250 : i32
      %add3A_317 = arith.addi %add3A_316, %mul3A_315 : i32
      %add3A_318 = arith.constant 16 : i32
      %add3A_319 = arith.addi %add3A_317, %add3A_318 : i32
      %get3A_320 = arith.index_cast %add3A_319 : i32 to index
      %get3A_321 = tpu.vector_load %arg11[%get3A_320] {strides = array<i32>} : memref<67600xf32, #tpu.memory_space<vmem>>, vector<16xf32>,
      %add3A_322 = arith.addf %add3A_313, %get3A_321 : vector<16xf32>
      %mul3A_323 = arith.constant 128 : i32
      %mul3A_324 = arith.muli %scan3A_66, %mul3A_323 : i32
      %add3A_325 = arith.constant 46475 : i32
      %add3A_326 = arith.addi %add3A_325, %mul3A_324 : i32
      %add3A_327 = arith.constant 16 : i32
      %add3A_328 = arith.addi %add3A_326, %add3A_327 : i32
      %get3A_329 = arith.index_cast %add3A_328 : i32 to index
      %get3A_330 = tpu.vector_load %arg11[%get3A_329] {strides = array<i32>} : memref<67600xf32, #tpu.memory_space<vmem>>, vector<16xf32>,
      %add3A_331 = arith.addf %add3A_322, %get3A_330 : vector<16xf32>
      %mul3A_332 = arith.constant 128 : i32
      %mul3A_333 = arith.muli %scan3A_66, %mul3A_332 : i32
      %add3A_334 = arith.constant 50700 : i32
      %add3A_335 = arith.addi %add3A_334, %mul3A_333 : i32
      %add3A_336 = arith.constant 16 : i32
      %add3A_337 = arith.addi %add3A_335, %add3A_336 : i32
      %get3A_338 = arith.index_cast %add3A_337 : i32 to index
      %get3A_339 = tpu.vector_load %arg11[%get3A_338] {strides = array<i32>} : memref<67600xf32, #tpu.memory_space<vmem>>, vector<16xf32>,
      %add3A_340 = arith.addf %add3A_331, %get3A_339 : vector<16xf32>
      %mul3A_341 = arith.constant 128 : i32
      %mul3A_342 = arith.muli %scan3A_66, %mul3A_341 : i32
      %add3A_343 = arith.constant 54925 : i32
      %add3A_344 = arith.addi %add3A_343, %mul3A_342 : i32
      %add3A_345 = arith.constant 16 : i32
      %add3A_346 = arith.addi %add3A_344, %add3A_345 : i32
      %get3A_347 = arith.index_cast %add3A_346 : i32 to index
      %get3A_348 = tpu.vector_load %arg11[%get3A_347] {strides = array<i32>} : memref<67600xf32, #tpu.memory_space<vmem>>, vector<16xf32>,
      %add3A_349 = arith.addf %add3A_340, %get3A_348 : vector<16xf32>
      %mul3A_350 = arith.constant 128 : i32
      %mul3A_351 = arith.muli %scan3A_66, %mul3A_350 : i32
      %add3A_352 = arith.constant 59150 : i32
      %add3A_353 = arith.addi %add3A_352, %mul3A_351 : i32
      %add3A_354 = arith.constant 16 : i32
      %add3A_355 = arith.addi %add3A_353, %add3A_354 : i32
      %get3A_356 = arith.index_cast %add3A_355 : i32 to index
      %get3A_357 = tpu.vector_load %arg11[%get3A_356] {strides = array<i32>} : memref<67600xf32, #tpu.memory_space<vmem>>, vector<16xf32>,
      %add3A_358 = arith.addf %add3A_349, %get3A_357 : vector<16xf32>
      %mul3A_359 = arith.constant 128 : i32
      %mul3A_360 = arith.muli %scan3A_66, %mul3A_359 : i32
      %add3A_361 = arith.constant 63375 : i32
      %add3A_362 = arith.addi %add3A_361, %mul3A_360 : i32
      %add3A_363 = arith.constant 16 : i32
      %add3A_364 = arith.addi %add3A_362, %add3A_363 : i32
      %get3A_365 = arith.index_cast %add3A_364 : i32 to index
      %get3A_366 = tpu.vector_load %arg11[%get3A_365] {strides = array<i32>} : memref<67600xf32, #tpu.memory_space<vmem>>, vector<16xf32>,
      %add3A_367 = arith.addf %add3A_358, %get3A_366 : vector<16xf32>
      %mul3A_368 = arith.constant 128 : i32
      %mul3A_369 = arith.muli %scan3A_66, %mul3A_368 : i32
      %add3A_370 = arith.constant 16 : i32
      %add3A_371 = arith.addi %mul3A_369, %add3A_370 : i32
      %swap3A_372 = arith.index_cast %add3A_371 : i32 to index
      %swap3A_373 = tpu.vector_load %arg12[%swap3A_372] {strides = array<i32>} : memref<4096xf32, #tpu.memory_space<vmem>>, vector<16xf32>,
      tpu.vector_store %arg12[%swap3A_372], %add3A_367 {strides = array<i32>} : memref<4096xf32, #tpu.memory_space<vmem>>, vector<16xf32>,
      %mul3A_374 = arith.constant 128 : i32
      %mul3A_375 = arith.muli %scan3A_66, %mul3A_374 : i32
      %add3A_376 = arith.constant 0 : i32
      %add3A_377 = arith.addi %add3A_376, %mul3A_375 : i32
      %add3A_378 = arith.constant 32 : i32
      %add3A_379 = arith.addi %add3A_377, %add3A_378 : i32
      %get3A_380 = arith.index_cast %add3A_379 : i32 to index
      %get3A_381 = tpu.vector_load %arg11[%get3A_380] {strides = array<i32>} : memref<67600xf32, #tpu.memory_space<vmem>>, vector<16xf32>,
      %add3A_382 = arith.addf %scan3A_69, %get3A_381 : vector<16xf32>
      %mul3A_383 = arith.constant 128 : i32
      %mul3A_384 = arith.muli %scan3A_66, %mul3A_383 : i32
      %add3A_385 = arith.constant 4225 : i32
      %add3A_386 = arith.addi %add3A_385, %mul3A_384 : i32
      %add3A_387 = arith.constant 32 : i32
      %add3A_388 = arith.addi %add3A_386, %add3A_387 : i32
      %get3A_389 = arith.index_cast %add3A_388 : i32 to index
      %get3A_390 = tpu.vector_load %arg11[%get3A_389] {strides = array<i32>} : memref<67600xf32, #tpu.memory_space<vmem>>, vector<16xf32>,
      %add3A_391 = arith.addf %add3A_382, %get3A_390 : vector<16xf32>
      %mul3A_392 = arith.constant 128 : i32
      %mul3A_393 = arith.muli %scan3A_66, %mul3A_392 : i32
      %add3A_394 = arith.constant 8450 : i32
      %add3A_395 = arith.addi %add3A_394, %mul3A_393 : i32
      %add3A_396 = arith.constant 32 : i32
      %add3A_397 = arith.addi %add3A_395, %add3A_396 : i32
      %get3A_398 = arith.index_cast %add3A_397 : i32 to index
      %get3A_399 = tpu.vector_load %arg11[%get3A_398] {strides = array<i32>} : memref<67600xf32, #tpu.memory_space<vmem>>, vector<16xf32>,
      %add3A_400 = arith.addf %add3A_391, %get3A_399 : vector<16xf32>
      %mul3A_401 = arith.constant 128 : i32
      %mul3A_402 = arith.muli %scan3A_66, %mul3A_401 : i32
      %add3A_403 = arith.constant 12675 : i32
      %add3A_404 = arith.addi %add3A_403, %mul3A_402 : i32
      %add3A_405 = arith.constant 32 : i32
      %add3A_406 = arith.addi %add3A_404, %add3A_405 : i32
      %get3A_407 = arith.index_cast %add3A_406 : i32 to index
      %get3A_408 = tpu.vector_load %arg11[%get3A_407] {strides = array<i32>} : memref<67600xf32, #tpu.memory_space<vmem>>, vector<16xf32>,
      %add3A_409 = arith.addf %add3A_400, %get3A_408 : vector<16xf32>
      %mul3A_410 = arith.constant 128 : i32
      %mul3A_411 = arith.muli %scan3A_66, %mul3A_410 : i32
      %add3A_412 = arith.constant 16900 : i32
      %add3A_413 = arith.addi %add3A_412, %mul3A_411 : i32
      %add3A_414 = arith.constant 32 : i32
      %add3A_415 = arith.addi %add3A_413, %add3A_414 : i32
      %get3A_416 = arith.index_cast %add3A_415 : i32 to index
      %get3A_417 = tpu.vector_load %arg11[%get3A_416] {strides = array<i32>} : memref<67600xf32, #tpu.memory_space<vmem>>, vector<16xf32>,
      %add3A_418 = arith.addf %add3A_409, %get3A_417 : vector<16xf32>
      %mul3A_419 = arith.constant 128 : i32
      %mul3A_420 = arith.muli %scan3A_66, %mul3A_419 : i32
      %add3A_421 = arith.constant 21125 : i32
      %add3A_422 = arith.addi %add3A_421, %mul3A_420 : i32
      %add3A_423 = arith.constant 32 : i32
      %add3A_424 = arith.addi %add3A_422, %add3A_423 : i32
      %get3A_425 = arith.index_cast %add3A_424 : i32 to index
      %get3A_426 = tpu.vector_load %arg11[%get3A_425] {strides = array<i32>} : memref<67600xf32, #tpu.memory_space<vmem>>, vector<16xf32>,
      %add3A_427 = arith.addf %add3A_418, %get3A_426 : vector<16xf32>
      %mul3A_428 = arith.constant 128 : i32
      %mul3A_429 = arith.muli %scan3A_66, %mul3A_428 : i32
      %add3A_430 = arith.constant 25350 : i32
      %add3A_431 = arith.addi %add3A_430, %mul3A_429 : i32
      %add3A_432 = arith.constant 32 : i32
      %add3A_433 = arith.addi %add3A_431, %add3A_432 : i32
      %get3A_434 = arith.index_cast %add3A_433 : i32 to index
      %get3A_435 = tpu.vector_load %arg11[%get3A_434] {strides = array<i32>} : memref<67600xf32, #tpu.memory_space<vmem>>, vector<16xf32>,
      %add3A_436 = arith.addf %add3A_427, %get3A_435 : vector<16xf32>
      %mul3A_437 = arith.constant 128 : i32
      %mul3A_438 = arith.muli %scan3A_66, %mul3A_437 : i32
      %add3A_439 = arith.constant 29575 : i32
      %add3A_440 = arith.addi %add3A_439, %mul3A_438 : i32
      %add3A_441 = arith.constant 32 : i32
      %add3A_442 = arith.addi %add3A_440, %add3A_441 : i32
      %get3A_443 = arith.index_cast %add3A_442 : i32 to index
      %get3A_444 = tpu.vector_load %arg11[%get3A_443] {strides = array<i32>} : memref<67600xf32, #tpu.memory_space<vmem>>, vector<16xf32>,
      %add3A_445 = arith.addf %add3A_436, %get3A_444 : vector<16xf32>
      %mul3A_446 = arith.constant 128 : i32
      %mul3A_447 = arith.muli %scan3A_66, %mul3A_446 : i32
      %add3A_448 = arith.constant 33800 : i32
      %add3A_449 = arith.addi %add3A_448, %mul3A_447 : i32
      %add3A_450 = arith.constant 32 : i32
      %add3A_451 = arith.addi %add3A_449, %add3A_450 : i32
      %get3A_452 = arith.index_cast %add3A_451 : i32 to index
      %get3A_453 = tpu.vector_load %arg11[%get3A_452] {strides = array<i32>} : memref<67600xf32, #tpu.memory_space<vmem>>, vector<16xf32>,
      %add3A_454 = arith.addf %add3A_445, %get3A_453 : vector<16xf32>
      %mul3A_455 = arith.constant 128 : i32
      %mul3A_456 = arith.muli %scan3A_66, %mul3A_455 : i32
      %add3A_457 = arith.constant 38025 : i32
      %add3A_458 = arith.addi %add3A_457, %mul3A_456 : i32
      %add3A_459 = arith.constant 32 : i32
      %add3A_460 = arith.addi %add3A_458, %add3A_459 : i32
      %get3A_461 = arith.index_cast %add3A_460 : i32 to index
      %get3A_462 = tpu.vector_load %arg11[%get3A_461] {strides = array<i32>} : memref<67600xf32, #tpu.memory_space<vmem>>, vector<16xf32>,
      %add3A_463 = arith.addf %add3A_454, %get3A_462 : vector<16xf32>
      %mul3A_464 = arith.constant 128 : i32
      %mul3A_465 = arith.muli %scan3A_66, %mul3A_464 : i32
      %add3A_466 = arith.constant 42250 : i32
      %add3A_467 = arith.addi %add3A_466, %mul3A_465 : i32
      %add3A_468 = arith.constant 32 : i32
      %add3A_469 = arith.addi %add3A_467, %add3A_468 : i32
      %get3A_470 = arith.index_cast %add3A_469 : i32 to index
      %get3A_471 = tpu.vector_load %arg11[%get3A_470] {strides = array<i32>} : memref<67600xf32, #tpu.memory_space<vmem>>, vector<16xf32>,
      %add3A_472 = arith.addf %add3A_463, %get3A_471 : vector<16xf32>
      %mul3A_473 = arith.constant 128 : i32
      %mul3A_474 = arith.muli %scan3A_66, %mul3A_473 : i32
      %add3A_475 = arith.constant 46475 : i32
      %add3A_476 = arith.addi %add3A_475, %mul3A_474 : i32
      %add3A_477 = arith.constant 32 : i32
      %add3A_478 = arith.addi %add3A_476, %add3A_477 : i32
      %get3A_479 = arith.index_cast %add3A_478 : i32 to index
      %get3A_480 = tpu.vector_load %arg11[%get3A_479] {strides = array<i32>} : memref<67600xf32, #tpu.memory_space<vmem>>, vector<16xf32>,
      %add3A_481 = arith.addf %add3A_472, %get3A_480 : vector<16xf32>
      %mul3A_482 = arith.constant 128 : i32
      %mul3A_483 = arith.muli %scan3A_66, %mul3A_482 : i32
      %add3A_484 = arith.constant 50700 : i32
      %add3A_485 = arith.addi %add3A_484, %mul3A_483 : i32
      %add3A_486 = arith.constant 32 : i32
      %add3A_487 = arith.addi %add3A_485, %add3A_486 : i32
      %get3A_488 = arith.index_cast %add3A_487 : i32 to index
      %get3A_489 = tpu.vector_load %arg11[%get3A_488] {strides = array<i32>} : memref<67600xf32, #tpu.memory_space<vmem>>, vector<16xf32>,
      %add3A_490 = arith.addf %add3A_481, %get3A_489 : vector<16xf32>
      %mul3A_491 = arith.constant 128 : i32
      %mul3A_492 = arith.muli %scan3A_66, %mul3A_491 : i32
      %add3A_493 = arith.constant 54925 : i32
      %add3A_494 = arith.addi %add3A_493, %mul3A_492 : i32
      %add3A_495 = arith.constant 32 : i32
      %add3A_496 = arith.addi %add3A_494, %add3A_495 : i32
      %get3A_497 = arith.index_cast %add3A_496 : i32 to index
      %get3A_498 = tpu.vector_load %arg11[%get3A_497] {strides = array<i32>} : memref<67600xf32, #tpu.memory_space<vmem>>, vector<16xf32>,
      %add3A_499 = arith.addf %add3A_490, %get3A_498 : vector<16xf32>
      %mul3A_500 = arith.constant 128 : i32
      %mul3A_501 = arith.muli %scan3A_66, %mul3A_500 : i32
      %add3A_502 = arith.constant 59150 : i32
      %add3A_503 = arith.addi %add3A_502, %mul3A_501 : i32
      %add3A_504 = arith.constant 32 : i32
      %add3A_505 = arith.addi %add3A_503, %add3A_504 : i32
      %get3A_506 = arith.index_cast %add3A_505 : i32 to index
      %get3A_507 = tpu.vector_load %arg11[%get3A_506] {strides = array<i32>} : memref<67600xf32, #tpu.memory_space<vmem>>, vector<16xf32>,
      %add3A_508 = arith.addf %add3A_499, %get3A_507 : vector<16xf32>
      %mul3A_509 = arith.constant 128 : i32
      %mul3A_510 = arith.muli %scan3A_66, %mul3A_509 : i32
      %add3A_511 = arith.constant 63375 : i32
      %add3A_512 = arith.addi %add3A_511, %mul3A_510 : i32
      %add3A_513 = arith.constant 32 : i32
      %add3A_514 = arith.addi %add3A_512, %add3A_513 : i32
      %get3A_515 = arith.index_cast %add3A_514 : i32 to index
      %get3A_516 = tpu.vector_load %arg11[%get3A_515] {strides = array<i32>} : memref<67600xf32, #tpu.memory_space<vmem>>, vector<16xf32>,
      %add3A_517 = arith.addf %add3A_508, %get3A_516 : vector<16xf32>
      %mul3A_518 = arith.constant 128 : i32
      %mul3A_519 = arith.muli %scan3A_66, %mul3A_518 : i32
      %add3A_520 = arith.constant 32 : i32
      %add3A_521 = arith.addi %mul3A_519, %add3A_520 : i32
      %swap3A_522 = arith.index_cast %add3A_521 : i32 to index
      %swap3A_523 = tpu.vector_load %arg12[%swap3A_522] {strides = array<i32>} : memref<4096xf32, #tpu.memory_space<vmem>>, vector<16xf32>,
      tpu.vector_store %arg12[%swap3A_522], %add3A_517 {strides = array<i32>} : memref<4096xf32, #tpu.memory_space<vmem>>, vector<16xf32>,
      %mul3A_524 = arith.constant 128 : i32
      %mul3A_525 = arith.muli %scan3A_66, %mul3A_524 : i32
      %add3A_526 = arith.constant 0 : i32
      %add3A_527 = arith.addi %add3A_526, %mul3A_525 : i32
      %add3A_528 = arith.constant 48 : i32
      %add3A_529 = arith.addi %add3A_527, %add3A_528 : i32
      %get3A_530 = arith.index_cast %add3A_529 : i32 to index
      %get3A_531 = tpu.vector_load %arg11[%get3A_530] {strides = array<i32>} : memref<67600xf32, #tpu.memory_space<vmem>>, vector<16xf32>,
      %add3A_532 = arith.addf %scan3A_70, %get3A_531 : vector<16xf32>
      %mul3A_533 = arith.constant 128 : i32
      %mul3A_534 = arith.muli %scan3A_66, %mul3A_533 : i32
      %add3A_535 = arith.constant 4225 : i32
      %add3A_536 = arith.addi %add3A_535, %mul3A_534 : i32
      %add3A_537 = arith.constant 48 : i32
      %add3A_538 = arith.addi %add3A_536, %add3A_537 : i32
      %get3A_539 = arith.index_cast %add3A_538 : i32 to index
      %get3A_540 = tpu.vector_load %arg11[%get3A_539] {strides = array<i32>} : memref<67600xf32, #tpu.memory_space<vmem>>, vector<16xf32>,
      %add3A_541 = arith.addf %add3A_532, %get3A_540 : vector<16xf32>
      %mul3A_542 = arith.constant 128 : i32
      %mul3A_543 = arith.muli %scan3A_66, %mul3A_542 : i32
      %add3A_544 = arith.constant 8450 : i32
      %add3A_545 = arith.addi %add3A_544, %mul3A_543 : i32
      %add3A_546 = arith.constant 48 : i32
      %add3A_547 = arith.addi %add3A_545, %add3A_546 : i32
      %get3A_548 = arith.index_cast %add3A_547 : i32 to index
      %get3A_549 = tpu.vector_load %arg11[%get3A_548] {strides = array<i32>} : memref<67600xf32, #tpu.memory_space<vmem>>, vector<16xf32>,
      %add3A_550 = arith.addf %add3A_541, %get3A_549 : vector<16xf32>
      %mul3A_551 = arith.constant 128 : i32
      %mul3A_552 = arith.muli %scan3A_66, %mul3A_551 : i32
      %add3A_553 = arith.constant 12675 : i32
      %add3A_554 = arith.addi %add3A_553, %mul3A_552 : i32
      %add3A_555 = arith.constant 48 : i32
      %add3A_556 = arith.addi %add3A_554, %add3A_555 : i32
      %get3A_557 = arith.index_cast %add3A_556 : i32 to index
      %get3A_558 = tpu.vector_load %arg11[%get3A_557] {strides = array<i32>} : memref<67600xf32, #tpu.memory_space<vmem>>, vector<16xf32>,
      %add3A_559 = arith.addf %add3A_550, %get3A_558 : vector<16xf32>
      %mul3A_560 = arith.constant 128 : i32
      %mul3A_561 = arith.muli %scan3A_66, %mul3A_560 : i32
      %add3A_562 = arith.constant 16900 : i32
      %add3A_563 = arith.addi %add3A_562, %mul3A_561 : i32
      %add3A_564 = arith.constant 48 : i32
      %add3A_565 = arith.addi %add3A_563, %add3A_564 : i32
      %get3A_566 = arith.index_cast %add3A_565 : i32 to index
      %get3A_567 = tpu.vector_load %arg11[%get3A_566] {strides = array<i32>} : memref<67600xf32, #tpu.memory_space<vmem>>, vector<16xf32>,
      %add3A_568 = arith.addf %add3A_559, %get3A_567 : vector<16xf32>
      %mul3A_569 = arith.constant 128 : i32
      %mul3A_570 = arith.muli %scan3A_66, %mul3A_569 : i32
      %add3A_571 = arith.constant 21125 : i32
      %add3A_572 = arith.addi %add3A_571, %mul3A_570 : i32
      %add3A_573 = arith.constant 48 : i32
      %add3A_574 = arith.addi %add3A_572, %add3A_573 : i32
      %get3A_575 = arith.index_cast %add3A_574 : i32 to index
      %get3A_576 = tpu.vector_load %arg11[%get3A_575] {strides = array<i32>} : memref<67600xf32, #tpu.memory_space<vmem>>, vector<16xf32>,
      %add3A_577 = arith.addf %add3A_568, %get3A_576 : vector<16xf32>
      %mul3A_578 = arith.constant 128 : i32
      %mul3A_579 = arith.muli %scan3A_66, %mul3A_578 : i32
      %add3A_580 = arith.constant 25350 : i32
      %add3A_581 = arith.addi %add3A_580, %mul3A_579 : i32
      %add3A_582 = arith.constant 48 : i32
      %add3A_583 = arith.addi %add3A_581, %add3A_582 : i32
      %get3A_584 = arith.index_cast %add3A_583 : i32 to index
      %get3A_585 = tpu.vector_load %arg11[%get3A_584] {strides = array<i32>} : memref<67600xf32, #tpu.memory_space<vmem>>, vector<16xf32>,
      %add3A_586 = arith.addf %add3A_577, %get3A_585 : vector<16xf32>
      %mul3A_587 = arith.constant 128 : i32
      %mul3A_588 = arith.muli %scan3A_66, %mul3A_587 : i32
      %add3A_589 = arith.constant 29575 : i32
      %add3A_590 = arith.addi %add3A_589, %mul3A_588 : i32
      %add3A_591 = arith.constant 48 : i32
      %add3A_592 = arith.addi %add3A_590, %add3A_591 : i32
      %get3A_593 = arith.index_cast %add3A_592 : i32 to index
      %get3A_594 = tpu.vector_load %arg11[%get3A_593] {strides = array<i32>} : memref<67600xf32, #tpu.memory_space<vmem>>, vector<16xf32>,
      %add3A_595 = arith.addf %add3A_586, %get3A_594 : vector<16xf32>
      %mul3A_596 = arith.constant 128 : i32
      %mul3A_597 = arith.muli %scan3A_66, %mul3A_596 : i32
      %add3A_598 = arith.constant 33800 : i32
      %add3A_599 = arith.addi %add3A_598, %mul3A_597 : i32
      %add3A_600 = arith.constant 48 : i32
      %add3A_601 = arith.addi %add3A_599, %add3A_600 : i32
      %get3A_602 = arith.index_cast %add3A_601 : i32 to index
      %get3A_603 = tpu.vector_load %arg11[%get3A_602] {strides = array<i32>} : memref<67600xf32, #tpu.memory_space<vmem>>, vector<16xf32>,
      %add3A_604 = arith.addf %add3A_595, %get3A_603 : vector<16xf32>
      %mul3A_605 = arith.constant 128 : i32
      %mul3A_606 = arith.muli %scan3A_66, %mul3A_605 : i32
      %add3A_607 = arith.constant 38025 : i32
      %add3A_608 = arith.addi %add3A_607, %mul3A_606 : i32
      %add3A_609 = arith.constant 48 : i32
      %add3A_610 = arith.addi %add3A_608, %add3A_609 : i32
      %get3A_611 = arith.index_cast %add3A_610 : i32 to index
      %get3A_612 = tpu.vector_load %arg11[%get3A_611] {strides = array<i32>} : memref<67600xf32, #tpu.memory_space<vmem>>, vector<16xf32>,
      %add3A_613 = arith.addf %add3A_604, %get3A_612 : vector<16xf32>
      %mul3A_614 = arith.constant 128 : i32
      %mul3A_615 = arith.muli %scan3A_66, %mul3A_614 : i32
      %add3A_616 = arith.constant 42250 : i32
      %add3A_617 = arith.addi %add3A_616, %mul3A_615 : i32
      %add3A_618 = arith.constant 48 : i32
      %add3A_619 = arith.addi %add3A_617, %add3A_618 : i32
      %get3A_620 = arith.index_cast %add3A_619 : i32 to index
      %get3A_621 = tpu.vector_load %arg11[%get3A_620] {strides = array<i32>} : memref<67600xf32, #tpu.memory_space<vmem>>, vector<16xf32>,
      %add3A_622 = arith.addf %add3A_613, %get3A_621 : vector<16xf32>
      %mul3A_623 = arith.constant 128 : i32
      %mul3A_624 = arith.muli %scan3A_66, %mul3A_623 : i32
      %add3A_625 = arith.constant 46475 : i32
      %add3A_626 = arith.addi %add3A_625, %mul3A_624 : i32
      %add3A_627 = arith.constant 48 : i32
      %add3A_628 = arith.addi %add3A_626, %add3A_627 : i32
      %get3A_629 = arith.index_cast %add3A_628 : i32 to index
      %get3A_630 = tpu.vector_load %arg11[%get3A_629] {strides = array<i32>} : memref<67600xf32, #tpu.memory_space<vmem>>, vector<16xf32>,
      %add3A_631 = arith.addf %add3A_622, %get3A_630 : vector<16xf32>
      %mul3A_632 = arith.constant 128 : i32
      %mul3A_633 = arith.muli %scan3A_66, %mul3A_632 : i32
      %add3A_634 = arith.constant 50700 : i32
      %add3A_635 = arith.addi %add3A_634, %mul3A_633 : i32
      %add3A_636 = arith.constant 48 : i32
      %add3A_637 = arith.addi %add3A_635, %add3A_636 : i32
      %get3A_638 = arith.index_cast %add3A_637 : i32 to index
      %get3A_639 = tpu.vector_load %arg11[%get3A_638] {strides = array<i32>} : memref<67600xf32, #tpu.memory_space<vmem>>, vector<16xf32>,
      %add3A_640 = arith.addf %add3A_631, %get3A_639 : vector<16xf32>
      %mul3A_641 = arith.constant 128 : i32
      %mul3A_642 = arith.muli %scan3A_66, %mul3A_641 : i32
      %add3A_643 = arith.constant 54925 : i32
      %add3A_644 = arith.addi %add3A_643, %mul3A_642 : i32
      %add3A_645 = arith.constant 48 : i32
      %add3A_646 = arith.addi %add3A_644, %add3A_645 : i32
      %get3A_647 = arith.index_cast %add3A_646 : i32 to index
      %get3A_648 = tpu.vector_load %arg11[%get3A_647] {strides = array<i32>} : memref<67600xf32, #tpu.memory_space<vmem>>, vector<16xf32>,
      %add3A_649 = arith.addf %add3A_640, %get3A_648 : vector<16xf32>
      %mul3A_650 = arith.constant 128 : i32
      %mul3A_651 = arith.muli %scan3A_66, %mul3A_650 : i32
      %add3A_652 = arith.constant 59150 : i32
      %add3A_653 = arith.addi %add3A_652, %mul3A_651 : i32
      %add3A_654 = arith.constant 48 : i32
      %add3A_655 = arith.addi %add3A_653, %add3A_654 : i32
      %get3A_656 = arith.index_cast %add3A_655 : i32 to index
      %get3A_657 = tpu.vector_load %arg11[%get3A_656] {strides = array<i32>} : memref<67600xf32, #tpu.memory_space<vmem>>, vector<16xf32>,
      %add3A_658 = arith.addf %add3A_649, %get3A_657 : vector<16xf32>
      %mul3A_659 = arith.constant 128 : i32
      %mul3A_660 = arith.muli %scan3A_66, %mul3A_659 : i32
      %add3A_661 = arith.constant 63375 : i32
      %add3A_662 = arith.addi %add3A_661, %mul3A_660 : i32
      %add3A_663 = arith.constant 48 : i32
      %add3A_664 = arith.addi %add3A_662, %add3A_663 : i32
      %get3A_665 = arith.index_cast %add3A_664 : i32 to index
      %get3A_666 = tpu.vector_load %arg11[%get3A_665] {strides = array<i32>} : memref<67600xf32, #tpu.memory_space<vmem>>, vector<16xf32>,
      %add3A_667 = arith.addf %add3A_658, %get3A_666 : vector<16xf32>
      %mul3A_668 = arith.constant 128 : i32
      %mul3A_669 = arith.muli %scan3A_66, %mul3A_668 : i32
      %add3A_670 = arith.constant 48 : i32
      %add3A_671 = arith.addi %mul3A_669, %add3A_670 : i32
      %swap3A_672 = arith.index_cast %add3A_671 : i32 to index
      %swap3A_673 = tpu.vector_load %arg12[%swap3A_672] {strides = array<i32>} : memref<4096xf32, #tpu.memory_space<vmem>>, vector<16xf32>,
      tpu.vector_store %arg12[%swap3A_672], %add3A_667 {strides = array<i32>} : memref<4096xf32, #tpu.memory_space<vmem>>, vector<16xf32>,
      %mul3A_674 = arith.constant 128 : i32
      %mul3A_675 = arith.muli %scan3A_66, %mul3A_674 : i32
      %add3A_676 = arith.constant 0 : i32
      %add3A_677 = arith.addi %add3A_676, %mul3A_675 : i32
      %add3A_678 = arith.constant 64 : i32
      %add3A_679 = arith.addi %add3A_677, %add3A_678 : i32
      %get3A_680 = arith.index_cast %add3A_679 : i32 to index
      %get3A_681 = tpu.vector_load %arg11[%get3A_680] {strides = array<i32>} : memref<67600xf32, #tpu.memory_space<vmem>>, vector<16xf32>,
      %add3A_682 = arith.addf %scan3A_71, %get3A_681 : vector<16xf32>
      %mul3A_683 = arith.constant 128 : i32
      %mul3A_684 = arith.muli %scan3A_66, %mul3A_683 : i32
      %add3A_685 = arith.constant 4225 : i32
      %add3A_686 = arith.addi %add3A_685, %mul3A_684 : i32
      %add3A_687 = arith.constant 64 : i32
      %add3A_688 = arith.addi %add3A_686, %add3A_687 : i32
      %get3A_689 = arith.index_cast %add3A_688 : i32 to index
      %get3A_690 = tpu.vector_load %arg11[%get3A_689] {strides = array<i32>} : memref<67600xf32, #tpu.memory_space<vmem>>, vector<16xf32>,
      %add3A_691 = arith.addf %add3A_682, %get3A_690 : vector<16xf32>
      %mul3A_692 = arith.constant 128 : i32
      %mul3A_693 = arith.muli %scan3A_66, %mul3A_692 : i32
      %add3A_694 = arith.constant 8450 : i32
      %add3A_695 = arith.addi %add3A_694, %mul3A_693 : i32
      %add3A_696 = arith.constant 64 : i32
      %add3A_697 = arith.addi %add3A_695, %add3A_696 : i32
      %get3A_698 = arith.index_cast %add3A_697 : i32 to index
      %get3A_699 = tpu.vector_load %arg11[%get3A_698] {strides = array<i32>} : memref<67600xf32, #tpu.memory_space<vmem>>, vector<16xf32>,
      %add3A_700 = arith.addf %add3A_691, %get3A_699 : vector<16xf32>
      %mul3A_701 = arith.constant 128 : i32
      %mul3A_702 = arith.muli %scan3A_66, %mul3A_701 : i32
      %add3A_703 = arith.constant 12675 : i32
      %add3A_704 = arith.addi %add3A_703, %mul3A_702 : i32
      %add3A_705 = arith.constant 64 : i32
      %add3A_706 = arith.addi %add3A_704, %add3A_705 : i32
      %get3A_707 = arith.index_cast %add3A_706 : i32 to index
      %get3A_708 = tpu.vector_load %arg11[%get3A_707] {strides = array<i32>} : memref<67600xf32, #tpu.memory_space<vmem>>, vector<16xf32>,
      %add3A_709 = arith.addf %add3A_700, %get3A_708 : vector<16xf32>
      %mul3A_710 = arith.constant 128 : i32
      %mul3A_711 = arith.muli %scan3A_66, %mul3A_710 : i32
      %add3A_712 = arith.constant 16900 : i32
      %add3A_713 = arith.addi %add3A_712, %mul3A_711 : i32
      %add3A_714 = arith.constant 64 : i32
      %add3A_715 = arith.addi %add3A_713, %add3A_714 : i32
      %get3A_716 = arith.index_cast %add3A_715 : i32 to index
      %get3A_717 = tpu.vector_load %arg11[%get3A_716] {strides = array<i32>} : memref<67600xf32, #tpu.memory_space<vmem>>, vector<16xf32>,
      %add3A_718 = arith.addf %add3A_709, %get3A_717 : vector<16xf32>
      %mul3A_719 = arith.constant 128 : i32
      %mul3A_720 = arith.muli %scan3A_66, %mul3A_719 : i32
      %add3A_721 = arith.constant 21125 : i32
      %add3A_722 = arith.addi %add3A_721, %mul3A_720 : i32
      %add3A_723 = arith.constant 64 : i32
      %add3A_724 = arith.addi %add3A_722, %add3A_723 : i32
      %get3A_725 = arith.index_cast %add3A_724 : i32 to index
      %get3A_726 = tpu.vector_load %arg11[%get3A_725] {strides = array<i32>} : memref<67600xf32, #tpu.memory_space<vmem>>, vector<16xf32>,
      %add3A_727 = arith.addf %add3A_718, %get3A_726 : vector<16xf32>
      %mul3A_728 = arith.constant 128 : i32
      %mul3A_729 = arith.muli %scan3A_66, %mul3A_728 : i32
      %add3A_730 = arith.constant 25350 : i32
      %add3A_731 = arith.addi %add3A_730, %mul3A_729 : i32
      %add3A_732 = arith.constant 64 : i32
      %add3A_733 = arith.addi %add3A_731, %add3A_732 : i32
      %get3A_734 = arith.index_cast %add3A_733 : i32 to index
      %get3A_735 = tpu.vector_load %arg11[%get3A_734] {strides = array<i32>} : memref<67600xf32, #tpu.memory_space<vmem>>, vector<16xf32>,
      %add3A_736 = arith.addf %add3A_727, %get3A_735 : vector<16xf32>
      %mul3A_737 = arith.constant 128 : i32
      %mul3A_738 = arith.muli %scan3A_66, %mul3A_737 : i32
      %add3A_739 = arith.constant 29575 : i32
      %add3A_740 = arith.addi %add3A_739, %mul3A_738 : i32
      %add3A_741 = arith.constant 64 : i32
      %add3A_742 = arith.addi %add3A_740, %add3A_741 : i32
      %get3A_743 = arith.index_cast %add3A_742 : i32 to index
      %get3A_744 = tpu.vector_load %arg11[%get3A_743] {strides = array<i32>} : memref<67600xf32, #tpu.memory_space<vmem>>, vector<16xf32>,
      %add3A_745 = arith.addf %add3A_736, %get3A_744 : vector<16xf32>
      %mul3A_746 = arith.constant 128 : i32
      %mul3A_747 = arith.muli %scan3A_66, %mul3A_746 : i32
      %add3A_748 = arith.constant 33800 : i32
      %add3A_749 = arith.addi %add3A_748, %mul3A_747 : i32
      %add3A_750 = arith.constant 64 : i32
      %add3A_751 = arith.addi %add3A_749, %add3A_750 : i32
      %get3A_752 = arith.index_cast %add3A_751 : i32 to index
      %get3A_753 = tpu.vector_load %arg11[%get3A_752] {strides = array<i32>} : memref<67600xf32, #tpu.memory_space<vmem>>, vector<16xf32>,
      %add3A_754 = arith.addf %add3A_745, %get3A_753 : vector<16xf32>
      %mul3A_755 = arith.constant 128 : i32
      %mul3A_756 = arith.muli %scan3A_66, %mul3A_755 : i32
      %add3A_757 = arith.constant 38025 : i32
      %add3A_758 = arith.addi %add3A_757, %mul3A_756 : i32
      %add3A_759 = arith.constant 64 : i32
      %add3A_760 = arith.addi %add3A_758, %add3A_759 : i32
      %get3A_761 = arith.index_cast %add3A_760 : i32 to index
      %get3A_762 = tpu.vector_load %arg11[%get3A_761] {strides = array<i32>} : memref<67600xf32, #tpu.memory_space<vmem>>, vector<16xf32>,
      %add3A_763 = arith.addf %add3A_754, %get3A_762 : vector<16xf32>
      %mul3A_764 = arith.constant 128 : i32
      %mul3A_765 = arith.muli %scan3A_66, %mul3A_764 : i32
      %add3A_766 = arith.constant 42250 : i32
      %add3A_767 = arith.addi %add3A_766, %mul3A_765 : i32
      %add3A_768 = arith.constant 64 : i32
      %add3A_769 = arith.addi %add3A_767, %add3A_768 : i32
      %get3A_770 = arith.index_cast %add3A_769 : i32 to index
      %get3A_771 = tpu.vector_load %arg11[%get3A_770] {strides = array<i32>} : memref<67600xf32, #tpu.memory_space<vmem>>, vector<16xf32>,
      %add3A_772 = arith.addf %add3A_763, %get3A_771 : vector<16xf32>
      %mul3A_773 = arith.constant 128 : i32
      %mul3A_774 = arith.muli %scan3A_66, %mul3A_773 : i32
      %add3A_775 = arith.constant 46475 : i32
      %add3A_776 = arith.addi %add3A_775, %mul3A_774 : i32
      %add3A_777 = arith.constant 64 : i32
      %add3A_778 = arith.addi %add3A_776, %add3A_777 : i32
      %get3A_779 = arith.index_cast %add3A_778 : i32 to index
      %get3A_780 = tpu.vector_load %arg11[%get3A_779] {strides = array<i32>} : memref<67600xf32, #tpu.memory_space<vmem>>, vector<16xf32>,
      %add3A_781 = arith.addf %add3A_772, %get3A_780 : vector<16xf32>
      %mul3A_782 = arith.constant 128 : i32
      %mul3A_783 = arith.muli %scan3A_66, %mul3A_782 : i32
      %add3A_784 = arith.constant 50700 : i32
      %add3A_785 = arith.addi %add3A_784, %mul3A_783 : i32
      %add3A_786 = arith.constant 64 : i32
      %add3A_787 = arith.addi %add3A_785, %add3A_786 : i32
      %get3A_788 = arith.index_cast %add3A_787 : i32 to index
      %get3A_789 = tpu.vector_load %arg11[%get3A_788] {strides = array<i32>} : memref<67600xf32, #tpu.memory_space<vmem>>, vector<16xf32>,
      %add3A_790 = arith.addf %add3A_781, %get3A_789 : vector<16xf32>
      %mul3A_791 = arith.constant 128 : i32
      %mul3A_792 = arith.muli %scan3A_66, %mul3A_791 : i32
      %add3A_793 = arith.constant 54925 : i32
      %add3A_794 = arith.addi %add3A_793, %mul3A_792 : i32
      %add3A_795 = arith.constant 64 : i32
      %add3A_796 = arith.addi %add3A_794, %add3A_795 : i32
      %get3A_797 = arith.index_cast %add3A_796 : i32 to index
      %get3A_798 = tpu.vector_load %arg11[%get3A_797] {strides = array<i32>} : memref<67600xf32, #tpu.memory_space<vmem>>, vector<16xf32>,
      %add3A_799 = arith.addf %add3A_790, %get3A_798 : vector<16xf32>
      %mul3A_800 = arith.constant 128 : i32
      %mul3A_801 = arith.muli %scan3A_66, %mul3A_800 : i32
      %add3A_802 = arith.constant 59150 : i32
      %add3A_803 = arith.addi %add3A_802, %mul3A_801 : i32
      %add3A_804 = arith.constant 64 : i32
      %add3A_805 = arith.addi %add3A_803, %add3A_804 : i32
      %get3A_806 = arith.index_cast %add3A_805 : i32 to index
      %get3A_807 = tpu.vector_load %arg11[%get3A_806] {strides = array<i32>} : memref<67600xf32, #tpu.memory_space<vmem>>, vector<16xf32>,
      %add3A_808 = arith.addf %add3A_799, %get3A_807 : vector<16xf32>
      %mul3A_809 = arith.constant 128 : i32
      %mul3A_810 = arith.muli %scan3A_66, %mul3A_809 : i32
      %add3A_811 = arith.constant 63375 : i32
      %add3A_812 = arith.addi %add3A_811, %mul3A_810 : i32
      %add3A_813 = arith.constant 64 : i32
      %add3A_814 = arith.addi %add3A_812, %add3A_813 : i32
      %get3A_815 = arith.index_cast %add3A_814 : i32 to index
      %get3A_816 = tpu.vector_load %arg11[%get3A_815] {strides = array<i32>} : memref<67600xf32, #tpu.memory_space<vmem>>, vector<16xf32>,
      %add3A_817 = arith.addf %add3A_808, %get3A_816 : vector<16xf32>
      %mul3A_818 = arith.constant 128 : i32
      %mul3A_819 = arith.muli %scan3A_66, %mul3A_818 : i32
      %add3A_820 = arith.constant 64 : i32
      %add3A_821 = arith.addi %mul3A_819, %add3A_820 : i32
      %swap3A_822 = arith.index_cast %add3A_821 : i32 to index
      %swap3A_823 = tpu.vector_load %arg12[%swap3A_822] {strides = array<i32>} : memref<4096xf32, #tpu.memory_space<vmem>>, vector<16xf32>,
      tpu.vector_store %arg12[%swap3A_822], %add3A_817 {strides = array<i32>} : memref<4096xf32, #tpu.memory_space<vmem>>, vector<16xf32>,
      %mul3A_824 = arith.constant 128 : i32
      %mul3A_825 = arith.muli %scan3A_66, %mul3A_824 : i32
      %add3A_826 = arith.constant 0 : i32
      %add3A_827 = arith.addi %add3A_826, %mul3A_825 : i32
      %add3A_828 = arith.constant 80 : i32
      %add3A_829 = arith.addi %add3A_827, %add3A_828 : i32
      %get3A_830 = arith.index_cast %add3A_829 : i32 to index
      %get3A_831 = tpu.vector_load %arg11[%get3A_830] {strides = array<i32>} : memref<67600xf32, #tpu.memory_space<vmem>>, vector<16xf32>,
      %add3A_832 = arith.addf %scan3A_72, %get3A_831 : vector<16xf32>
      %mul3A_833 = arith.constant 128 : i32
      %mul3A_834 = arith.muli %scan3A_66, %mul3A_833 : i32
      %add3A_835 = arith.constant 4225 : i32
      %add3A_836 = arith.addi %add3A_835, %mul3A_834 : i32
      %add3A_837 = arith.constant 80 : i32
      %add3A_838 = arith.addi %add3A_836, %add3A_837 : i32
      %get3A_839 = arith.index_cast %add3A_838 : i32 to index
      %get3A_840 = tpu.vector_load %arg11[%get3A_839] {strides = array<i32>} : memref<67600xf32, #tpu.memory_space<vmem>>, vector<16xf32>,
      %add3A_841 = arith.addf %add3A_832, %get3A_840 : vector<16xf32>
      %mul3A_842 = arith.constant 128 : i32
      %mul3A_843 = arith.muli %scan3A_66, %mul3A_842 : i32
      %add3A_844 = arith.constant 8450 : i32
      %add3A_845 = arith.addi %add3A_844, %mul3A_843 : i32
      %add3A_846 = arith.constant 80 : i32
      %add3A_847 = arith.addi %add3A_845, %add3A_846 : i32
      %get3A_848 = arith.index_cast %add3A_847 : i32 to index
      %get3A_849 = tpu.vector_load %arg11[%get3A_848] {strides = array<i32>} : memref<67600xf32, #tpu.memory_space<vmem>>, vector<16xf32>,
      %add3A_850 = arith.addf %add3A_841, %get3A_849 : vector<16xf32>
      %mul3A_851 = arith.constant 128 : i32
      %mul3A_852 = arith.muli %scan3A_66, %mul3A_851 : i32
      %add3A_853 = arith.constant 12675 : i32
      %add3A_854 = arith.addi %add3A_853, %mul3A_852 : i32
      %add3A_855 = arith.constant 80 : i32
      %add3A_856 = arith.addi %add3A_854, %add3A_855 : i32
      %get3A_857 = arith.index_cast %add3A_856 : i32 to index
      %get3A_858 = tpu.vector_load %arg11[%get3A_857] {strides = array<i32>} : memref<67600xf32, #tpu.memory_space<vmem>>, vector<16xf32>,
      %add3A_859 = arith.addf %add3A_850, %get3A_858 : vector<16xf32>
      %mul3A_860 = arith.constant 128 : i32
      %mul3A_861 = arith.muli %scan3A_66, %mul3A_860 : i32
      %add3A_862 = arith.constant 16900 : i32
      %add3A_863 = arith.addi %add3A_862, %mul3A_861 : i32
      %add3A_864 = arith.constant 80 : i32
      %add3A_865 = arith.addi %add3A_863, %add3A_864 : i32
      %get3A_866 = arith.index_cast %add3A_865 : i32 to index
      %get3A_867 = tpu.vector_load %arg11[%get3A_866] {strides = array<i32>} : memref<67600xf32, #tpu.memory_space<vmem>>, vector<16xf32>,
      %add3A_868 = arith.addf %add3A_859, %get3A_867 : vector<16xf32>
      %mul3A_869 = arith.constant 128 : i32
      %mul3A_870 = arith.muli %scan3A_66, %mul3A_869 : i32
      %add3A_871 = arith.constant 21125 : i32
      %add3A_872 = arith.addi %add3A_871, %mul3A_870 : i32
      %add3A_873 = arith.constant 80 : i32
      %add3A_874 = arith.addi %add3A_872, %add3A_873 : i32
      %get3A_875 = arith.index_cast %add3A_874 : i32 to index
      %get3A_876 = tpu.vector_load %arg11[%get3A_875] {strides = array<i32>} : memref<67600xf32, #tpu.memory_space<vmem>>, vector<16xf32>,
      %add3A_877 = arith.addf %add3A_868, %get3A_876 : vector<16xf32>
      %mul3A_878 = arith.constant 128 : i32
      %mul3A_879 = arith.muli %scan3A_66, %mul3A_878 : i32
      %add3A_880 = arith.constant 25350 : i32
      %add3A_881 = arith.addi %add3A_880, %mul3A_879 : i32
      %add3A_882 = arith.constant 80 : i32
      %add3A_883 = arith.addi %add3A_881, %add3A_882 : i32
      %get3A_884 = arith.index_cast %add3A_883 : i32 to index
      %get3A_885 = tpu.vector_load %arg11[%get3A_884] {strides = array<i32>} : memref<67600xf32, #tpu.memory_space<vmem>>, vector<16xf32>,
      %add3A_886 = arith.addf %add3A_877, %get3A_885 : vector<16xf32>
      %mul3A_887 = arith.constant 128 : i32
      %mul3A_888 = arith.muli %scan3A_66, %mul3A_887 : i32
      %add3A_889 = arith.constant 29575 : i32
      %add3A_890 = arith.addi %add3A_889, %mul3A_888 : i32
      %add3A_891 = arith.constant 80 : i32
      %add3A_892 = arith.addi %add3A_890, %add3A_891 : i32
      %get3A_893 = arith.index_cast %add3A_892 : i32 to index
      %get3A_894 = tpu.vector_load %arg11[%get3A_893] {strides = array<i32>} : memref<67600xf32, #tpu.memory_space<vmem>>, vector<16xf32>,
      %add3A_895 = arith.addf %add3A_886, %get3A_894 : vector<16xf32>
      %mul3A_896 = arith.constant 128 : i32
      %mul3A_897 = arith.muli %scan3A_66, %mul3A_896 : i32
      %add3A_898 = arith.constant 33800 : i32
      %add3A_899 = arith.addi %add3A_898, %mul3A_897 : i32
      %add3A_900 = arith.constant 80 : i32
      %add3A_901 = arith.addi %add3A_899, %add3A_900 : i32
      %get3A_902 = arith.index_cast %add3A_901 : i32 to index
      %get3A_903 = tpu.vector_load %arg11[%get3A_902] {strides = array<i32>} : memref<67600xf32, #tpu.memory_space<vmem>>, vector<16xf32>,
      %add3A_904 = arith.addf %add3A_895, %get3A_903 : vector<16xf32>
      %mul3A_905 = arith.constant 128 : i32
      %mul3A_906 = arith.muli %scan3A_66, %mul3A_905 : i32
      %add3A_907 = arith.constant 38025 : i32
      %add3A_908 = arith.addi %add3A_907, %mul3A_906 : i32
      %add3A_909 = arith.constant 80 : i32
      %add3A_910 = arith.addi %add3A_908, %add3A_909 : i32
      %get3A_911 = arith.index_cast %add3A_910 : i32 to index
      %get3A_912 = tpu.vector_load %arg11[%get3A_911] {strides = array<i32>} : memref<67600xf32, #tpu.memory_space<vmem>>, vector<16xf32>,
      %add3A_913 = arith.addf %add3A_904, %get3A_912 : vector<16xf32>
      %mul3A_914 = arith.constant 128 : i32
      %mul3A_915 = arith.muli %scan3A_66, %mul3A_914 : i32
      %add3A_916 = arith.constant 42250 : i32
      %add3A_917 = arith.addi %add3A_916, %mul3A_915 : i32
      %add3A_918 = arith.constant 80 : i32
      %add3A_919 = arith.addi %add3A_917, %add3A_918 : i32
      %get3A_920 = arith.index_cast %add3A_919 : i32 to index
      %get3A_921 = tpu.vector_load %arg11[%get3A_920] {strides = array<i32>} : memref<67600xf32, #tpu.memory_space<vmem>>, vector<16xf32>,
      %add3A_922 = arith.addf %add3A_913, %get3A_921 : vector<16xf32>
      %mul3A_923 = arith.constant 128 : i32
      %mul3A_924 = arith.muli %scan3A_66, %mul3A_923 : i32
      %add3A_925 = arith.constant 46475 : i32
      %add3A_926 = arith.addi %add3A_925, %mul3A_924 : i32
      %add3A_927 = arith.constant 80 : i32
      %add3A_928 = arith.addi %add3A_926, %add3A_927 : i32
      %get3A_929 = arith.index_cast %add3A_928 : i32 to index
      %get3A_930 = tpu.vector_load %arg11[%get3A_929] {strides = array<i32>} : memref<67600xf32, #tpu.memory_space<vmem>>, vector<16xf32>,
      %add3A_931 = arith.addf %add3A_922, %get3A_930 : vector<16xf32>
      %mul3A_932 = arith.constant 128 : i32
      %mul3A_933 = arith.muli %scan3A_66, %mul3A_932 : i32
      %add3A_934 = arith.constant 50700 : i32
      %add3A_935 = arith.addi %add3A_934, %mul3A_933 : i32
      %add3A_936 = arith.constant 80 : i32
      %add3A_937 = arith.addi %add3A_935, %add3A_936 : i32
      %get3A_938 = arith.index_cast %add3A_937 : i32 to index
      %get3A_939 = tpu.vector_load %arg11[%get3A_938] {strides = array<i32>} : memref<67600xf32, #tpu.memory_space<vmem>>, vector<16xf32>,
      %add3A_940 = arith.addf %add3A_931, %get3A_939 : vector<16xf32>
      %mul3A_941 = arith.constant 128 : i32
      %mul3A_942 = arith.muli %scan3A_66, %mul3A_941 : i32
      %add3A_943 = arith.constant 54925 : i32
      %add3A_944 = arith.addi %add3A_943, %mul3A_942 : i32
      %add3A_945 = arith.constant 80 : i32
      %add3A_946 = arith.addi %add3A_944, %add3A_945 : i32
      %get3A_947 = arith.index_cast %add3A_946 : i32 to index
      %get3A_948 = tpu.vector_load %arg11[%get3A_947] {strides = array<i32>} : memref<67600xf32, #tpu.memory_space<vmem>>, vector<16xf32>,
      %add3A_949 = arith.addf %add3A_940, %get3A_948 : vector<16xf32>
      %mul3A_950 = arith.constant 128 : i32
      %mul3A_951 = arith.muli %scan3A_66, %mul3A_950 : i32
      %add3A_952 = arith.constant 59150 : i32
      %add3A_953 = arith.addi %add3A_952, %mul3A_951 : i32
      %add3A_954 = arith.constant 80 : i32
      %add3A_955 = arith.addi %add3A_953, %add3A_954 : i32
      %get3A_956 = arith.index_cast %add3A_955 : i32 to index
      %get3A_957 = tpu.vector_load %arg11[%get3A_956] {strides = array<i32>} : memref<67600xf32, #tpu.memory_space<vmem>>, vector<16xf32>,
      %add3A_958 = arith.addf %add3A_949, %get3A_957 : vector<16xf32>
      %mul3A_959 = arith.constant 128 : i32
      %mul3A_960 = arith.muli %scan3A_66, %mul3A_959 : i32
      %add3A_961 = arith.constant 63375 : i32
      %add3A_962 = arith.addi %add3A_961, %mul3A_960 : i32
      %add3A_963 = arith.constant 80 : i32
      %add3A_964 = arith.addi %add3A_962, %add3A_963 : i32
      %get3A_965 = arith.index_cast %add3A_964 : i32 to index
      %get3A_966 = tpu.vector_load %arg11[%get3A_965] {strides = array<i32>} : memref<67600xf32, #tpu.memory_space<vmem>>, vector<16xf32>,
      %add3A_967 = arith.addf %add3A_958, %get3A_966 : vector<16xf32>
      %mul3A_968 = arith.constant 128 : i32
      %mul3A_969 = arith.muli %scan3A_66, %mul3A_968 : i32
      %add3A_970 = arith.constant 80 : i32
      %add3A_971 = arith.addi %mul3A_969, %add3A_970 : i32
      %swap3A_972 = arith.index_cast %add3A_971 : i32 to index
      %swap3A_973 = tpu.vector_load %arg12[%swap3A_972] {strides = array<i32>} : memref<4096xf32, #tpu.memory_space<vmem>>, vector<16xf32>,
      tpu.vector_store %arg12[%swap3A_972], %add3A_967 {strides = array<i32>} : memref<4096xf32, #tpu.memory_space<vmem>>, vector<16xf32>,
      %mul3A_974 = arith.constant 128 : i32
      %mul3A_975 = arith.muli %scan3A_66, %mul3A_974 : i32
      %add3A_976 = arith.constant 0 : i32
      %add3A_977 = arith.addi %add3A_976, %mul3A_975 : i32
      %add3A_978 = arith.constant 96 : i32
      %add3A_979 = arith.addi %add3A_977, %add3A_978 : i32
      %get3A_980 = arith.index_cast %add3A_979 : i32 to index
      %get3A_981 = tpu.vector_load %arg11[%get3A_980] {strides = array<i32>} : memref<67600xf32, #tpu.memory_space<vmem>>, vector<16xf32>,
      %add3A_982 = arith.addf %scan3A_73, %get3A_981 : vector<16xf32>
      %mul3A_983 = arith.constant 128 : i32
      %mul3A_984 = arith.muli %scan3A_66, %mul3A_983 : i32
      %add3A_985 = arith.constant 4225 : i32
      %add3A_986 = arith.addi %add3A_985, %mul3A_984 : i32
      %add3A_987 = arith.constant 96 : i32
      %add3A_988 = arith.addi %add3A_986, %add3A_987 : i32
      %get3A_989 = arith.index_cast %add3A_988 : i32 to index
      %get3A_990 = tpu.vector_load %arg11[%get3A_989] {strides = array<i32>} : memref<67600xf32, #tpu.memory_space<vmem>>, vector<16xf32>,
      %add3A_991 = arith.addf %add3A_982, %get3A_990 : vector<16xf32>
      %mul3A_992 = arith.constant 128 : i32
      %mul3A_993 = arith.muli %scan3A_66, %mul3A_992 : i32
      %add3A_994 = arith.constant 8450 : i32
      %add3A_995 = arith.addi %add3A_994, %mul3A_993 : i32
      %add3A_996 = arith.constant 96 : i32
      %add3A_997 = arith.addi %add3A_995, %add3A_996 : i32
      %get3A_998 = arith.index_cast %add3A_997 : i32 to index
      %get3A_999 = tpu.vector_load %arg11[%get3A_998] {strides = array<i32>} : memref<67600xf32, #tpu.memory_space<vmem>>, vector<16xf32>,
      %add3A_1000 = arith.addf %add3A_991, %get3A_999 : vector<16xf32>
      %mul3A_1001 = arith.constant 128 : i32
      %mul3A_1002 = arith.muli %scan3A_66, %mul3A_1001 : i32
      %add3A_1003 = arith.constant 12675 : i32
      %add3A_1004 = arith.addi %add3A_1003, %mul3A_1002 : i32
      %add3A_1005 = arith.constant 96 : i32
      %add3A_1006 = arith.addi %add3A_1004, %add3A_1005 : i32
      %get3A_1007 = arith.index_cast %add3A_1006 : i32 to index
      %get3A_1008 = tpu.vector_load %arg11[%get3A_1007] {strides = array<i32>} : memref<67600xf32, #tpu.memory_space<vmem>>, vector<16xf32>,
      %add3A_1009 = arith.addf %add3A_1000, %get3A_1008 : vector<16xf32>
      %mul3A_1010 = arith.constant 128 : i32
      %mul3A_1011 = arith.muli %scan3A_66, %mul3A_1010 : i32
      %add3A_1012 = arith.constant 16900 : i32
      %add3A_1013 = arith.addi %add3A_1012, %mul3A_1011 : i32
      %add3A_1014 = arith.constant 96 : i32
      %add3A_1015 = arith.addi %add3A_1013, %add3A_1014 : i32
      %get3A_1016 = arith.index_cast %add3A_1015 : i32 to index
      %get3A_1017 = tpu.vector_load %arg11[%get3A_1016] {strides = array<i32>} : memref<67600xf32, #tpu.memory_space<vmem>>, vector<16xf32>,
      %add3A_1018 = arith.addf %add3A_1009, %get3A_1017 : vector<16xf32>
      %mul3A_1019 = arith.constant 128 : i32
      %mul3A_1020 = arith.muli %scan3A_66, %mul3A_1019 : i32
      %add3A_1021 = arith.constant 21125 : i32
      %add3A_1022 = arith.addi %add3A_1021, %mul3A_1020 : i32
      %add3A_1023 = arith.constant 96 : i32
      %add3A_1024 = arith.addi %add3A_1022, %add3A_1023 : i32
      %get3A_1025 = arith.index_cast %add3A_1024 : i32 to index
      %get3A_1026 = tpu.vector_load %arg11[%get3A_1025] {strides = array<i32>} : memref<67600xf32, #tpu.memory_space<vmem>>, vector<16xf32>,
      %add3A_1027 = arith.addf %add3A_1018, %get3A_1026 : vector<16xf32>
      %mul3A_1028 = arith.constant 128 : i32
      %mul3A_1029 = arith.muli %scan3A_66, %mul3A_1028 : i32
      %add3A_1030 = arith.constant 25350 : i32
      %add3A_1031 = arith.addi %add3A_1030, %mul3A_1029 : i32
      %add3A_1032 = arith.constant 96 : i32
      %add3A_1033 = arith.addi %add3A_1031, %add3A_1032 : i32
      %get3A_1034 = arith.index_cast %add3A_1033 : i32 to index
      %get3A_1035 = tpu.vector_load %arg11[%get3A_1034] {strides = array<i32>} : memref<67600xf32, #tpu.memory_space<vmem>>, vector<16xf32>,
      %add3A_1036 = arith.addf %add3A_1027, %get3A_1035 : vector<16xf32>
      %mul3A_1037 = arith.constant 128 : i32
      %mul3A_1038 = arith.muli %scan3A_66, %mul3A_1037 : i32
      %add3A_1039 = arith.constant 29575 : i32
      %add3A_1040 = arith.addi %add3A_1039, %mul3A_1038 : i32
      %add3A_1041 = arith.constant 96 : i32
      %add3A_1042 = arith.addi %add3A_1040, %add3A_1041 : i32
      %get3A_1043 = arith.index_cast %add3A_1042 : i32 to index
      %get3A_1044 = tpu.vector_load %arg11[%get3A_1043] {strides = array<i32>} : memref<67600xf32, #tpu.memory_space<vmem>>, vector<16xf32>,
      %add3A_1045 = arith.addf %add3A_1036, %get3A_1044 : vector<16xf32>
      %mul3A_1046 = arith.constant 128 : i32
      %mul3A_1047 = arith.muli %scan3A_66, %mul3A_1046 : i32
      %add3A_1048 = arith.constant 33800 : i32
      %add3A_1049 = arith.addi %add3A_1048, %mul3A_1047 : i32
      %add3A_1050 = arith.constant 96 : i32
      %add3A_1051 = arith.addi %add3A_1049, %add3A_1050 : i32
      %get3A_1052 = arith.index_cast %add3A_1051 : i32 to index
      %get3A_1053 = tpu.vector_load %arg11[%get3A_1052] {strides = array<i32>} : memref<67600xf32, #tpu.memory_space<vmem>>, vector<16xf32>,
      %add3A_1054 = arith.addf %add3A_1045, %get3A_1053 : vector<16xf32>
      %mul3A_1055 = arith.constant 128 : i32
      %mul3A_1056 = arith.muli %scan3A_66, %mul3A_1055 : i32
      %add3A_1057 = arith.constant 38025 : i32
      %add3A_1058 = arith.addi %add3A_1057, %mul3A_1056 : i32
      %add3A_1059 = arith.constant 96 : i32
      %add3A_1060 = arith.addi %add3A_1058, %add3A_1059 : i32
      %get3A_1061 = arith.index_cast %add3A_1060 : i32 to index
      %get3A_1062 = tpu.vector_load %arg11[%get3A_1061] {strides = array<i32>} : memref<67600xf32, #tpu.memory_space<vmem>>, vector<16xf32>,
      %add3A_1063 = arith.addf %add3A_1054, %get3A_1062 : vector<16xf32>
      %mul3A_1064 = arith.constant 128 : i32
      %mul3A_1065 = arith.muli %scan3A_66, %mul3A_1064 : i32
      %add3A_1066 = arith.constant 42250 : i32
      %add3A_1067 = arith.addi %add3A_1066, %mul3A_1065 : i32
      %add3A_1068 = arith.constant 96 : i32
      %add3A_1069 = arith.addi %add3A_1067, %add3A_1068 : i32
      %get3A_1070 = arith.index_cast %add3A_1069 : i32 to index
      %get3A_1071 = tpu.vector_load %arg11[%get3A_1070] {strides = array<i32>} : memref<67600xf32, #tpu.memory_space<vmem>>, vector<16xf32>,
      %add3A_1072 = arith.addf %add3A_1063, %get3A_1071 : vector<16xf32>
      %mul3A_1073 = arith.constant 128 : i32
      %mul3A_1074 = arith.muli %scan3A_66, %mul3A_1073 : i32
      %add3A_1075 = arith.constant 46475 : i32
      %add3A_1076 = arith.addi %add3A_1075, %mul3A_1074 : i32
      %add3A_1077 = arith.constant 96 : i32
      %add3A_1078 = arith.addi %add3A_1076, %add3A_1077 : i32
      %get3A_1079 = arith.index_cast %add3A_1078 : i32 to index
      %get3A_1080 = tpu.vector_load %arg11[%get3A_1079] {strides = array<i32>} : memref<67600xf32, #tpu.memory_space<vmem>>, vector<16xf32>,
      %add3A_1081 = arith.addf %add3A_1072, %get3A_1080 : vector<16xf32>
      %mul3A_1082 = arith.constant 128 : i32
      %mul3A_1083 = arith.muli %scan3A_66, %mul3A_1082 : i32
      %add3A_1084 = arith.constant 50700 : i32
      %add3A_1085 = arith.addi %add3A_1084, %mul3A_1083 : i32
      %add3A_1086 = arith.constant 96 : i32
      %add3A_1087 = arith.addi %add3A_1085, %add3A_1086 : i32
      %get3A_1088 = arith.index_cast %add3A_1087 : i32 to index
      %get3A_1089 = tpu.vector_load %arg11[%get3A_1088] {strides = array<i32>} : memref<67600xf32, #tpu.memory_space<vmem>>, vector<16xf32>,
      %add3A_1090 = arith.addf %add3A_1081, %get3A_1089 : vector<16xf32>
      %mul3A_1091 = arith.constant 128 : i32
      %mul3A_1092 = arith.muli %scan3A_66, %mul3A_1091 : i32
      %add3A_1093 = arith.constant 54925 : i32
      %add3A_1094 = arith.addi %add3A_1093, %mul3A_1092 : i32
      %add3A_1095 = arith.constant 96 : i32
      %add3A_1096 = arith.addi %add3A_1094, %add3A_1095 : i32
      %get3A_1097 = arith.index_cast %add3A_1096 : i32 to index
      %get3A_1098 = tpu.vector_load %arg11[%get3A_1097] {strides = array<i32>} : memref<67600xf32, #tpu.memory_space<vmem>>, vector<16xf32>,
      %add3A_1099 = arith.addf %add3A_1090, %get3A_1098 : vector<16xf32>
      %mul3A_1100 = arith.constant 128 : i32
      %mul3A_1101 = arith.muli %scan3A_66, %mul3A_1100 : i32
      %add3A_1102 = arith.constant 59150 : i32
      %add3A_1103 = arith.addi %add3A_1102, %mul3A_1101 : i32
      %add3A_1104 = arith.constant 96 : i32
      %add3A_1105 = arith.addi %add3A_1103, %add3A_1104 : i32
      %get3A_1106 = arith.index_cast %add3A_1105 : i32 to index
      %get3A_1107 = tpu.vector_load %arg11[%get3A_1106] {strides = array<i32>} : memref<67600xf32, #tpu.memory_space<vmem>>, vector<16xf32>,
      %add3A_1108 = arith.addf %add3A_1099, %get3A_1107 : vector<16xf32>
      %mul3A_1109 = arith.constant 128 : i32
      %mul3A_1110 = arith.muli %scan3A_66, %mul3A_1109 : i32
      %add3A_1111 = arith.constant 63375 : i32
      %add3A_1112 = arith.addi %add3A_1111, %mul3A_1110 : i32
      %add3A_1113 = arith.constant 96 : i32
      %add3A_1114 = arith.addi %add3A_1112, %add3A_1113 : i32
      %get3A_1115 = arith.index_cast %add3A_1114 : i32 to index
      %get3A_1116 = tpu.vector_load %arg11[%get3A_1115] {strides = array<i32>} : memref<67600xf32, #tpu.memory_space<vmem>>, vector<16xf32>,
      %add3A_1117 = arith.addf %add3A_1108, %get3A_1116 : vector<16xf32>
      %mul3A_1118 = arith.constant 128 : i32
      %mul3A_1119 = arith.muli %scan3A_66, %mul3A_1118 : i32
      %add3A_1120 = arith.constant 96 : i32
      %add3A_1121 = arith.addi %mul3A_1119, %add3A_1120 : i32
      %swap3A_1122 = arith.index_cast %add3A_1121 : i32 to index
      %swap3A_1123 = tpu.vector_load %arg12[%swap3A_1122] {strides = array<i32>} : memref<4096xf32, #tpu.memory_space<vmem>>, vector<16xf32>,
      tpu.vector_store %arg12[%swap3A_1122], %add3A_1117 {strides = array<i32>} : memref<4096xf32, #tpu.memory_space<vmem>>, vector<16xf32>,
      %mul3A_1124 = arith.constant 128 : i32
      %mul3A_1125 = arith.muli %scan3A_66, %mul3A_1124 : i32
      %add3A_1126 = arith.constant 0 : i32
      %add3A_1127 = arith.addi %add3A_1126, %mul3A_1125 : i32
      %add3A_1128 = arith.constant 112 : i32
      %add3A_1129 = arith.addi %add3A_1127, %add3A_1128 : i32
      %get3A_1130 = arith.index_cast %add3A_1129 : i32 to index
      %get3A_1131 = tpu.vector_load %arg11[%get3A_1130] {strides = array<i32>} : memref<67600xf32, #tpu.memory_space<vmem>>, vector<16xf32>,
      %add3A_1132 = arith.addf %scan3A_74, %get3A_1131 : vector<16xf32>
      %mul3A_1133 = arith.constant 128 : i32
      %mul3A_1134 = arith.muli %scan3A_66, %mul3A_1133 : i32
      %add3A_1135 = arith.constant 4225 : i32
      %add3A_1136 = arith.addi %add3A_1135, %mul3A_1134 : i32
      %add3A_1137 = arith.constant 112 : i32
      %add3A_1138 = arith.addi %add3A_1136, %add3A_1137 : i32
      %get3A_1139 = arith.index_cast %add3A_1138 : i32 to index
      %get3A_1140 = tpu.vector_load %arg11[%get3A_1139] {strides = array<i32>} : memref<67600xf32, #tpu.memory_space<vmem>>, vector<16xf32>,
      %add3A_1141 = arith.addf %add3A_1132, %get3A_1140 : vector<16xf32>
      %mul3A_1142 = arith.constant 128 : i32
      %mul3A_1143 = arith.muli %scan3A_66, %mul3A_1142 : i32
      %add3A_1144 = arith.constant 8450 : i32
      %add3A_1145 = arith.addi %add3A_1144, %mul3A_1143 : i32
      %add3A_1146 = arith.constant 112 : i32
      %add3A_1147 = arith.addi %add3A_1145, %add3A_1146 : i32
      %get3A_1148 = arith.index_cast %add3A_1147 : i32 to index
      %get3A_1149 = tpu.vector_load %arg11[%get3A_1148] {strides = array<i32>} : memref<67600xf32, #tpu.memory_space<vmem>>, vector<16xf32>,
      %add3A_1150 = arith.addf %add3A_1141, %get3A_1149 : vector<16xf32>
      %mul3A_1151 = arith.constant 128 : i32
      %mul3A_1152 = arith.muli %scan3A_66, %mul3A_1151 : i32
      %add3A_1153 = arith.constant 12675 : i32
      %add3A_1154 = arith.addi %add3A_1153, %mul3A_1152 : i32
      %add3A_1155 = arith.constant 112 : i32
      %add3A_1156 = arith.addi %add3A_1154, %add3A_1155 : i32
      %get3A_1157 = arith.index_cast %add3A_1156 : i32 to index
      %get3A_1158 = tpu.vector_load %arg11[%get3A_1157] {strides = array<i32>} : memref<67600xf32, #tpu.memory_space<vmem>>, vector<16xf32>,
      %add3A_1159 = arith.addf %add3A_1150, %get3A_1158 : vector<16xf32>
      %mul3A_1160 = arith.constant 128 : i32
      %mul3A_1161 = arith.muli %scan3A_66, %mul3A_1160 : i32
      %add3A_1162 = arith.constant 16900 : i32
      %add3A_1163 = arith.addi %add3A_1162, %mul3A_1161 : i32
      %add3A_1164 = arith.constant 112 : i32
      %add3A_1165 = arith.addi %add3A_1163, %add3A_1164 : i32
      %get3A_1166 = arith.index_cast %add3A_1165 : i32 to index
      %get3A_1167 = tpu.vector_load %arg11[%get3A_1166] {strides = array<i32>} : memref<67600xf32, #tpu.memory_space<vmem>>, vector<16xf32>,
      %add3A_1168 = arith.addf %add3A_1159, %get3A_1167 : vector<16xf32>
      %mul3A_1169 = arith.constant 128 : i32
      %mul3A_1170 = arith.muli %scan3A_66, %mul3A_1169 : i32
      %add3A_1171 = arith.constant 21125 : i32
      %add3A_1172 = arith.addi %add3A_1171, %mul3A_1170 : i32
      %add3A_1173 = arith.constant 112 : i32
      %add3A_1174 = arith.addi %add3A_1172, %add3A_1173 : i32
      %get3A_1175 = arith.index_cast %add3A_1174 : i32 to index
      %get3A_1176 = tpu.vector_load %arg11[%get3A_1175] {strides = array<i32>} : memref<67600xf32, #tpu.memory_space<vmem>>, vector<16xf32>,
      %add3A_1177 = arith.addf %add3A_1168, %get3A_1176 : vector<16xf32>
      %mul3A_1178 = arith.constant 128 : i32
      %mul3A_1179 = arith.muli %scan3A_66, %mul3A_1178 : i32
      %add3A_1180 = arith.constant 25350 : i32
      %add3A_1181 = arith.addi %add3A_1180, %mul3A_1179 : i32
      %add3A_1182 = arith.constant 112 : i32
      %add3A_1183 = arith.addi %add3A_1181, %add3A_1182 : i32
      %get3A_1184 = arith.index_cast %add3A_1183 : i32 to index
      %get3A_1185 = tpu.vector_load %arg11[%get3A_1184] {strides = array<i32>} : memref<67600xf32, #tpu.memory_space<vmem>>, vector<16xf32>,
      %add3A_1186 = arith.addf %add3A_1177, %get3A_1185 : vector<16xf32>
      %mul3A_1187 = arith.constant 128 : i32
      %mul3A_1188 = arith.muli %scan3A_66, %mul3A_1187 : i32
      %add3A_1189 = arith.constant 29575 : i32
      %add3A_1190 = arith.addi %add3A_1189, %mul3A_1188 : i32
      %add3A_1191 = arith.constant 112 : i32
      %add3A_1192 = arith.addi %add3A_1190, %add3A_1191 : i32
      %get3A_1193 = arith.index_cast %add3A_1192 : i32 to index
      %get3A_1194 = tpu.vector_load %arg11[%get3A_1193] {strides = array<i32>} : memref<67600xf32, #tpu.memory_space<vmem>>, vector<16xf32>,
      %add3A_1195 = arith.addf %add3A_1186, %get3A_1194 : vector<16xf32>
      %mul3A_1196 = arith.constant 128 : i32
      %mul3A_1197 = arith.muli %scan3A_66, %mul3A_1196 : i32
      %add3A_1198 = arith.constant 33800 : i32
      %add3A_1199 = arith.addi %add3A_1198, %mul3A_1197 : i32
      %add3A_1200 = arith.constant 112 : i32
      %add3A_1201 = arith.addi %add3A_1199, %add3A_1200 : i32
      %get3A_1202 = arith.index_cast %add3A_1201 : i32 to index
      %get3A_1203 = tpu.vector_load %arg11[%get3A_1202] {strides = array<i32>} : memref<67600xf32, #tpu.memory_space<vmem>>, vector<16xf32>,
      %add3A_1204 = arith.addf %add3A_1195, %get3A_1203 : vector<16xf32>
      %mul3A_1205 = arith.constant 128 : i32
      %mul3A_1206 = arith.muli %scan3A_66, %mul3A_1205 : i32
      %add3A_1207 = arith.constant 38025 : i32
      %add3A_1208 = arith.addi %add3A_1207, %mul3A_1206 : i32
      %add3A_1209 = arith.constant 112 : i32
      %add3A_1210 = arith.addi %add3A_1208, %add3A_1209 : i32
      %get3A_1211 = arith.index_cast %add3A_1210 : i32 to index
      %get3A_1212 = tpu.vector_load %arg11[%get3A_1211] {strides = array<i32>} : memref<67600xf32, #tpu.memory_space<vmem>>, vector<16xf32>,
      %add3A_1213 = arith.addf %add3A_1204, %get3A_1212 : vector<16xf32>
      %mul3A_1214 = arith.constant 128 : i32
      %mul3A_1215 = arith.muli %scan3A_66, %mul3A_1214 : i32
      %add3A_1216 = arith.constant 42250 : i32
      %add3A_1217 = arith.addi %add3A_1216, %mul3A_1215 : i32
      %add3A_1218 = arith.constant 112 : i32
      %add3A_1219 = arith.addi %add3A_1217, %add3A_1218 : i32
      %get3A_1220 = arith.index_cast %add3A_1219 : i32 to index
      %get3A_1221 = tpu.vector_load %arg11[%get3A_1220] {strides = array<i32>} : memref<67600xf32, #tpu.memory_space<vmem>>, vector<16xf32>,
      %add3A_1222 = arith.addf %add3A_1213, %get3A_1221 : vector<16xf32>
      %mul3A_1223 = arith.constant 128 : i32
      %mul3A_1224 = arith.muli %scan3A_66, %mul3A_1223 : i32
      %add3A_1225 = arith.constant 46475 : i32
      %add3A_1226 = arith.addi %add3A_1225, %mul3A_1224 : i32
      %add3A_1227 = arith.constant 112 : i32
      %add3A_1228 = arith.addi %add3A_1226, %add3A_1227 : i32
      %get3A_1229 = arith.index_cast %add3A_1228 : i32 to index
      %get3A_1230 = tpu.vector_load %arg11[%get3A_1229] {strides = array<i32>} : memref<67600xf32, #tpu.memory_space<vmem>>, vector<16xf32>,
      %add3A_1231 = arith.addf %add3A_1222, %get3A_1230 : vector<16xf32>
      %mul3A_1232 = arith.constant 128 : i32
      %mul3A_1233 = arith.muli %scan3A_66, %mul3A_1232 : i32
      %add3A_1234 = arith.constant 50700 : i32
      %add3A_1235 = arith.addi %add3A_1234, %mul3A_1233 : i32
      %add3A_1236 = arith.constant 112 : i32
      %add3A_1237 = arith.addi %add3A_1235, %add3A_1236 : i32
      %get3A_1238 = arith.index_cast %add3A_1237 : i32 to index
      %get3A_1239 = tpu.vector_load %arg11[%get3A_1238] {strides = array<i32>} : memref<67600xf32, #tpu.memory_space<vmem>>, vector<16xf32>,
      %add3A_1240 = arith.addf %add3A_1231, %get3A_1239 : vector<16xf32>
      %mul3A_1241 = arith.constant 128 : i32
      %mul3A_1242 = arith.muli %scan3A_66, %mul3A_1241 : i32
      %add3A_1243 = arith.constant 54925 : i32
      %add3A_1244 = arith.addi %add3A_1243, %mul3A_1242 : i32
      %add3A_1245 = arith.constant 112 : i32
      %add3A_1246 = arith.addi %add3A_1244, %add3A_1245 : i32
      %get3A_1247 = arith.index_cast %add3A_1246 : i32 to index
      %get3A_1248 = tpu.vector_load %arg11[%get3A_1247] {strides = array<i32>} : memref<67600xf32, #tpu.memory_space<vmem>>, vector<16xf32>,
      %add3A_1249 = arith.addf %add3A_1240, %get3A_1248 : vector<16xf32>
      %mul3A_1250 = arith.constant 128 : i32
      %mul3A_1251 = arith.muli %scan3A_66, %mul3A_1250 : i32
      %add3A_1252 = arith.constant 59150 : i32
      %add3A_1253 = arith.addi %add3A_1252, %mul3A_1251 : i32
      %add3A_1254 = arith.constant 112 : i32
      %add3A_1255 = arith.addi %add3A_1253, %add3A_1254 : i32
      %get3A_1256 = arith.index_cast %add3A_1255 : i32 to index
      %get3A_1257 = tpu.vector_load %arg11[%get3A_1256] {strides = array<i32>} : memref<67600xf32, #tpu.memory_space<vmem>>, vector<16xf32>,
      %add3A_1258 = arith.addf %add3A_1249, %get3A_1257 : vector<16xf32>
      %mul3A_1259 = arith.constant 128 : i32
      %mul3A_1260 = arith.muli %scan3A_66, %mul3A_1259 : i32
      %add3A_1261 = arith.constant 63375 : i32
      %add3A_1262 = arith.addi %add3A_1261, %mul3A_1260 : i32
      %add3A_1263 = arith.constant 112 : i32
      %add3A_1264 = arith.addi %add3A_1262, %add3A_1263 : i32
      %get3A_1265 = arith.index_cast %add3A_1264 : i32 to index
      %get3A_1266 = tpu.vector_load %arg11[%get3A_1265] {strides = array<i32>} : memref<67600xf32, #tpu.memory_space<vmem>>, vector<16xf32>,
      %add3A_1267 = arith.addf %add3A_1258, %get3A_1266 : vector<16xf32>
      %mul3A_1268 = arith.constant 128 : i32
      %mul3A_1269 = arith.muli %scan3A_66, %mul3A_1268 : i32
      %add3A_1270 = arith.constant 112 : i32
      %add3A_1271 = arith.addi %mul3A_1269, %add3A_1270 : i32
      %swap3A_1272 = arith.index_cast %add3A_1271 : i32 to index
      %swap3A_1273 = tpu.vector_load %arg12[%swap3A_1272] {strides = array<i32>} : memref<4096xf32, #tpu.memory_space<vmem>>, vector<16xf32>,
      tpu.vector_store %arg12[%swap3A_1272], %add3A_1267 {strides = array<i32>} : memref<4096xf32, #tpu.memory_space<vmem>>, vector<16xf32>,
      scf.yield %add3A_218, %add3A_367, %add3A_517, %add3A_667, %add3A_817, %add3A_967, %add3A_1117, %add3A_1267 : vector<16xf32>, vector<16xf32>, vector<16xf32>, vector<16xf32>, vector<16xf32>, vector<16xf32>, vector<16xf32>, vector<16xf32>
    }
    %scan3A_63 = arith.constant 32 : i32
    %mul3A_64 = arith.constant 4096 : i32
    %mul3A_65 = arith.muli %add3A, %mul3A_64 : i32
    "tpu.region"() ({
      %run_scoped3A = tpu.sem_alloc : memref<!tpu.dma_semaphore, #tpu.memory_space<semaphore_mem>>
      %dma_start3A_66 = tpu.memref_slice %arg5[%mul3A_65] : memref<131072xf32, #tpu.memory_space<hbm>> -> memref<4096xf32, #tpu.memory_space<hbm>>
      %dma_start3A_67 = tpu.memref_slice %arg5[%mul3A_65] : memref<131072xf32, #tpu.memory_space<hbm>> -> memref<4096xf32, #tpu.memory_space<hbm>>
      tpu.enqueue_dma source(%arg12 : memref<4096xf32, #tpu.memory_space<vmem>>) target(%dma_start3A_67 : memref<4096xf32, #tpu.memory_space<hbm>>) target_semaphore(%run_scoped3A : memref<!tpu.dma_semaphore, #tpu.memory_space<semaphore_mem>>)
      %dma_wait3A_68 = tpu.memref_slice %arg5[%mul3A_65] : memref<131072xf32, #tpu.memory_space<hbm>> -> memref<4096xf32, #tpu.memory_space<hbm>>
      %dma_wait3A_69 = tpu.memref_slice %arg5[%mul3A_65] : memref<131072xf32, #tpu.memory_space<hbm>> -> memref<4096xf32, #tpu.memory_space<hbm>>
      tpu.wait_dma2 semaphore(%run_scoped3A : memref<!tpu.dma_semaphore, #tpu.memory_space<semaphore_mem>>) src(%arg12 : memref<4096xf32, #tpu.memory_space<vmem>>) dst(%dma_wait3A_69 : memref<4096xf32, #tpu.memory_space<hbm>>)
      tpu.yield
    }) : () -> ()
    return
  }
}

</mosaic_0001>

<sc_bundles>
// kernel: kernel.3.cloned.1.call-start
scs
__scs_entry_jumppad:
0x0: {  	(pc) =	sbr.rel $0x88, $3  }
0x1: {  	(tag) =	ssettag $0x0;
	lr =	simm.s32 $0x1  }
0x2: {  	[smem:$0x3F9D] =	sst lr;
	_ =	strace $0xD0000000  }
0x3: {  	_ = 	snop  }
0x4: {  	_ = 	snop  }
0x5: {  	_ = 	snop  }
0x6: {  	_ = 	snop  }
0x7: {  	_ = 	snop  }
__scs_overlays_trampoline_lowered:
0x8: {  	[smem:$0x3FAC] =	sst s0  }
0x9: {  	[smem:$0x3FAD] =	sst s1  }
0xa: {  	[smem:$0x3FAE] =	sst s2  }
0xb: {  	[smem:$0x3FAF] =	sst s3  }
0xc: {  	[smem:$0x3FB0] =	sst s4  }
0xd: {  	[smem:$0x3FB1] =	sst s5  }
0xe: {  	[smem:$0x3FB2] =	sst s6  }
0xf: {  	[smem:$0x3FB3] =	sst s7  }
0x10: {  	[smem:$0x3FB4] =	sst s8  }
0x11: {  	[smem:$0x3FB5] =	sst s9;
	s0 =	simm.s32 @!p0 $0x0  }
0x12: {  	s1 =	sld [smem:$0x3F9B];
	s0 =	simm.s32 @p0 $0x1  }
0x13: {  	[smem:$0x3FB6] =	sst s0;
	s0 =	simm.s32 @!p1 $0x0  }
0x14: {  	s2 =	sld [smem:$0x3F9A];
	s0 =	simm.s32 @p1 $0x1  }
0x15: {  	[smem:$0x3FB7] =	sst s0;
	s0 =	simm.s32 @!p2 $0x0  }
0x16: {  	s3 =	sld [smem:$0x3FDB];
	s0 =	simm.s32 @p2 $0x1  }
0x17: {  	s4 =	simm.s32 $0x1BF5;
	[smem:$0x3FB9] =	sst s0  }
0x18: {  	s0 =	sld [smem:$0x3F9C];
	_ =	swait.ge [sflag:s4], $0x0  }
0x19: {  	s7 =	sld [smem:$0x3F9D]  }
0x1a: {  	s8 =	sadd.s32 $0xFFFFE003, lr  }
0x1b: {  	s9 =	sadd.s32 $0xFFFFFEF7, lr;
	s5 =	simm.s32 $0xFFFFFFFF;
	p2 =	slt.u32 s8, $0xFFFFF086  }
0x1c: {  	p1 =	slt.u32 s9, $0xF7A;
	s5 =	simm.s32 @!p2 $0x0  }
0x1d: {  	s5 =	simm.s32 @p1 $0x1;
	p0 =	seq.s32 s7, s2  }
0x1e: {  	s7 =	smul.u32 @!p0 $0xF7A, s2;
	p2 =	seq.s32 @!p0 s5, $0x0  }
0x1f: {  	s9 =	smul.u32 $0xF7A, s1;
	s8 =	simm.s32 @!p0 $0x1BF5;
	p2 =	por !p2, p0  }
0x20: {  	[sflag:s8] =	ssyncset.s32 @!p0 $0xFFFFF086;
	s6 =	sadd.s32 @!p0 s3, s7;
	s7 =	simm.s32 @!p0 $0x108  }
0x21: {  	s3 =	sadd.s32 s3, s9;
	s6 =	sadd.s32 @!p0 $0x88, s6;
	s7 =	simm.s32 @p2 $0x1082  }
0x22: {  	[simem:s7], [sflag:s8] =	dma.local @!p0 [hbm:s6], $0xF7A  }
0x23: {  	s9 =	sor.u32 $0xD0000000, s2;
	s6 =	simm.s32 $0x108;
	_ =	swait.ge @!p0 [sflag:s8], $0x0  }
0x24: {  	s3 =	sadd.s32 $0x88, s3;
	s6 =	simm.s32 @!p1 $0x1082;
	[sflag:s4] =	ssyncset.s32 $0xFFFFF086  }
0x25: {  	[simem:s6], [sflag:s4] =	dma.local [hbm:s3], $0xF7A  }
0x26: {  	[smem:$0x3F9D] =	sst s1;
	(tag) =	ssettag s2;
	_ =	strace s9  }
0x27: {  	s1 =	sld [smem:$0x3FAD]  }
0x28: {  	s2 =	sld [smem:$0x3FAE]  }
0x29: {  	s4 =	sld [smem:$0x3FB0]  }
0x2a: {  	p0 =	seq.s32 s5, $0x0;
	s5 =	sld [smem:$0x3FB1]  }
0x2b: {  	s6 =	sld [smem:$0x3FB2]  }
0x2c: {  	s7 =	sld [smem:$0x3FB3]  }
0x2d: {  	s3 =	simm.s32 $0x108;
	s8 =	sld [smem:$0x3FB4]  }
0x2e: {  	s3 =	simm.s32 @!p0 $0x1082;
	s9 =	sld [smem:$0x3FB5]  }
0x2f: {  	lr =	sadd.s32 s0, s3;
	s0 =	sld [smem:$0x3FAC]  }
0x30: {  	s3 =	sld [smem:$0x3FAF]  }
0x31: {  	[smem:$0x3FB8] =	sst s10  }
0x32: {  	s10 =	sld [smem:$0x3FB6];
	_ =	sdelay $0x3  }
0x33: {  	p0 =	seq.s32 s10, $0x1;
	s10 =	sld [smem:$0x3FB8];
	_ =	sdelay $0x3  }
0x34: {  	[smem:$0x3FB8] =	sst s10  }
0x35: {  	s10 =	sld [smem:$0x3FB7];
	_ =	sdelay $0x3  }
0x36: {  	p1 =	seq.s32 s10, $0x1;
	s10 =	sld [smem:$0x3FB8];
	_ =	sdelay $0x3  }
0x37: {  	[smem:$0x3FB8] =	sst s10  }
0x38: {  	s10 =	sld [smem:$0x3FB9]  }
0x39: {  	_ = 	snop;
	(pc) =	sbr.ind lr, $3  }
0x3a: {  	_ = 	snop  }
0x3b: {  	_ = 	snop  }
0x3c: {  	p2 =	seq.s32 s10, $0x1;
	s10 =	sld [smem:$0x3FB8]  }
0x3d: {  	_ =	shalt  }
0x3e: {  	_ =	shalt  }
0x3f: {  	_ =	shalt  }
0x40: {  	_ =	shalt  }
0x41: {  	_ =	shalt  }
0x42: {  	_ =	shalt  }
0x43: {  	_ =	shalt  }
0x44: {  	_ =	shalt  }
0x45: {  	_ =	shalt  }
0x46: {  	_ =	shalt  }
0x47: {  	_ =	shalt  }
0x48: {  	_ =	shalt  }
0x49: {  	_ =	shalt  }
0x4a: {  	_ =	shalt  }
0x4b: {  	_ =	shalt  }
0x4c: {  	_ =	shalt  }
0x4d: {  	_ =	shalt  }
0x4e: {  	_ =	shalt  }
0x4f: {  	_ =	shalt  }
0x50: {  	_ =	shalt  }
0x51: {  	_ =	shalt  }
0x52: {  	_ =	shalt  }
0x53: {  	_ =	shalt  }
0x54: {  	_ =	shalt  }
0x55: {  	_ =	shalt  }
0x56: {  	_ =	shalt  }
0x57: {  	_ =	shalt  }
0x58: {  	_ =	shalt  }
0x59: {  	_ =	shalt  }
0x5a: {  	_ =	shalt  }
0x5b: {  	_ =	shalt  }
0x5c: {  	_ =	shalt  }
0x5d: {  	_ =	shalt  }
0x5e: {  	_ =	shalt  }
0x5f: {  	_ =	shalt  }
0x60: {  	_ =	shalt  }
0x61: {  	_ =	shalt  }
0x62: {  	_ =	shalt  }
0x63: {  	_ =	shalt  }
0x64: {  	_ =	shalt  }
0x65: {  	_ =	shalt  }
0x66: {  	_ =	shalt  }
0x67: {  	_ =	shalt  }
0x68: {  	_ =	shalt  }
0x69: {  	_ =	shalt  }
0x6a: {  	_ =	shalt  }
0x6b: {  	_ =	shalt  }
0x6c: {  	_ =	shalt  }
0x6d: {  	_ =	shalt  }
0x6e: {  	_ =	shalt  }
0x6f: {  	_ =	shalt  }
0x70: {  	_ =	shalt  }
0x71: {  	_ =	shalt  }
0x72: {  	_ =	shalt  }
0x73: {  	_ =	shalt  }
0x74: {  	_ =	shalt  }
0x75: {  	_ =	shalt  }
0x76: {  	_ =	shalt  }
0x77: {  	_ =	shalt  }
0x78: {  	_ =	shalt  }
0x79: {  	_ =	shalt  }
0x7a: {  	_ =	shalt  }
0x7b: {  	_ =	shalt  }
0x7c: {  	_ =	shalt  }
0x7d: {  	_ =	shalt  }
0x7e: {  	_ =	shalt  }
0x7f: {  	_ =	shalt  }
0x80: {  	_ =	shalt  }
0x81: {  	_ =	shalt  }
0x82: {  	_ =	shalt  }
0x83: {  	_ =	shalt  }
0x84: {  	_ =	shalt  }
0x85: {  	_ =	shalt  }
0x86: {  	_ =	shalt  }
0x87: {  	_ =	shalt  }
.Lfunc_end0:
.L_simem_size_0:
called_computation_lowered:
.L_overlay_start_0:
0x88: {  	s2 =	sld [smem:$0x3FD9]  }
0x89: {  	s3 =	sld [smem:$0x3FFE];
	_ =	sdelay $0x1  }
0x8a: {  	s1 =	srdreg.scid  }
0x8b: {  	s0 =	sand.u32 $0x1, s1  }
0x8c: {  	s17 =	sshll.u32 s0, $0xA;
	s2 =	sadd.s32 s3, s2  }
0x8d: {  	s2 =	sadd.s32 s2, s17  }
0x8e: {  	[smem:$0x3FC4] =	sst s2  }
0x8f: {  	_ = 	snop  }
0x90: {  	s2 =	sld [smem:$0x3FD0];
	(tm) =	ssettm $0x1  }
0x91: {  	s18 =	sld [smem:$0x3FFB];
	_ =	sdelay $0x3  }
0x92: {  	_ =	strace s18  }
0x93: {  	s3 =	sld [smem:$0x3FFC];
	_ =	sdelay $0x3  }
0x94: {  	_ =	strace s3  }
0x95: {  	s3 =	sld [smem:$0x3FFD];
	_ =	sdelay $0x3  }
0x96: {  	_ =	strace s3  }
0x97: {  	_ =	strace $0x8FFFFFFF  }
0x98: {  	s19 =	sld [smem:$0x3FDB];
	_ =	sdelay $0x1  }
0x99: {  	s4 =	simm.s32 $_scs_section_size  }
0x9a: {  	s5 =	simm.s32 $_size__tile_overlayer_lowered;
	s6 =	simm.s32 $_tile_overlayer_lowered  }
0x9b: {  	s22 =	simm.s32 $0x1BFF;
	s21 =	sshll.u32 s6, $0x1;
	s3 =	sadd.s32 s4, s19  }
0x9c: {  	s7 =	simm.s32 $0x0;
	s20 =	sshll.u32 s5, $0x1;
	s5 =	sadd.s32 s21, s3  }
0x9d: {  	[timem:s7], [sflag:s22] =	dma.local [hbm:s5], s20  }
0x9e: {  	_ =	swait.ge [sflag:s22], s20  }
0x9f: {  	s4 =	ssub.s32 $0x0, s20;
	[sflag:s22] =	ssyncset.done $0x0  }
0xa0: {  	[sflag:s22] =	ssyncadd.s32 s4;
	_ =	sdelay $0x1  }
0xa1: {  	s23 =	simm.s32 $0x1B8B  }
0xa2: {  	_ =	swait.ge [sflag:s23], $0x1  }
0xa3: {  	[sflag:s23] =	ssyncset.done $0x0  }
0xa4: {  	s25 =	simm.s32 $0x1B8E;
	s24 =	sld [smem:$0x3FFE];
	[sflag:s23] =	ssyncadd.s32 $0xFFFFFFFF  }
0xa5: {  	s26 =	simm.s32 $execute0_lowered;
	[smem:$0x3FD2] =	sst s25  }
0xa6: {  	s5 =	sshll.u32 s26, $0x1;
	_ =	strace $0x80000046;
	[dreg:$0x1] =	wrdreg $0xFFFFFFFF  }
0xa7: {  	s28 =	simm.s32 $_size_execute0_lowered;
	s3 =	sadd.s32 s3, s5;
	[dreg:$0x0] =	wrdreg $0x0  }
0xa8: {  	s5 =	sshll.u32 s28, $0x1;
	[dreg:$0x2] =	wrdreg s3  }
0xa9: {  	[dreg:$0x3] =	wrdreg s5  }
0xaa: {  	[dreg:$0x4] =	wrdreg $0xC0  }
0xab: {  	_ =	task [dreg:s7], $0x5FFFF  }
0xac: {  	[dreg:$0x1] =	wrdreg $0xFFFFFFFF  }
0xad: {  	[dreg:$0x0] =	wrdreg $0x60  }
0xae: {  	[dreg:$0x2] =	wrdreg s24  }
0xaf: {  	[dreg:$0x3] =	wrdreg s2  }
0xb0: {  	[dreg:$0x4] =	wrdreg $0x9  }
0xb1: {  	_ =	task.clear_ibuf [dreg:s7], $0x5FFFF;
	_ =	strace $0x90000046  }
0xb2: {  	s29 =	simm.s32 $0x9;
	_ =	strace $0x80000048  }
0xb3: {  	_ =	swait.ge [sflag:s29], $0x1  }
0xb4: {  	[sflag:s29] =	ssyncadd.s32 $0xFFFFFFFF  }
0xb5: {  	_ =	strace $0x90000048  }
0xb6: {  	_ =	sfence  }
0xb7: {  	s30 =	sld [smem:$0x0];
	_ =	sdelay $0x2  }
0xb8: {  	s31 =	sshll.u32 s1, $0xD;
	s1 =	sshrl.u32 s1, $0x2  }
0xb9: {  	s3 =	sand.u32 $0x4000, s31;
	s1 =	sadd.s32 s1, s30  }
0xba: {  	s0 =	sor.u32 s3, s0;
	s1 =	sshll.u32 s1, $0x11  }
0xbb: {  	s0 =	sor.u32 s1, s0  }
0xbc: {  	s0 =	sadd.s32 $0x8F2B, s0  }
0xbd: {  	[sflag:s0] =	ssyncadd.remote.s32 $0x1  }
0xbe: {  	_ =	sfence.sel $0xFFFF  }
0xbf: {  	[dreg:$0x0] =	wrdreg $0xFFFFFFFF;
	(pc) =	sbr.abs _section_cstart, $3  }
0xc0: {  	[dreg:$0x1] =	wrdreg $0xFFFFFFFF  }
0xc1: {  	_ =	task.clear_ibuf [dreg:s7], $0x2FFFF;
	_ =	strace $0x9FFFFFFF  }
0xc2: {  	(tm) =	ssettm $0x7FFFFFFF  }
0xc3: {  	_ =	shalt  }
tec
execute0_lowered:
.L_overlay_start_1:
0x0: {  	(tag) =	ssettag $0x1  }
0x1: {  	s5 =	rddreg [dreg:$0x0]  }
0x2: {  	s2 =	rddreg [dreg:$0x1]  }
0x3: {  	s0 =	rddreg [dreg:$0x2]  }
0x4: {  	s3 =	simm.s32 $0x0;
	s4 =	srdreg.scid;
	s1 =	stileid.u32  }
0x5: {  	s10 =	simm.s32 $0x3200;
	s11 =	simm.s32 $0x1;
	s12 =	simm.s32 $0x2  }
0x6: {  	s13 =	simm.s32 $0x14780;
	s14 =	simm.s32 $0x4;
	s15 =	simm.s32 $0x0  }
0x7: {  	[smem:$0x7FF] =	sst s3;
	s6 =	sand.u32 $0x1, s4;
	s7 =	sshll.u32 s1, $0x1  }
0x8: {  	s4 =	sadd.s32 $0x1400, s5;
	_ =	strace $0x80000047;
	s7 =	sor.u32 s6, s7  }
0x9: {  	s6 =	ssub.s32 $0x2, s6;
	s8 =	sshll.u32 s7, $0x4;
	s7 =	sshll.u32 s7, $0x9  }
0xa: {  	s31 =	sshrl.u32 s6, $0x1;
	s8 =	sadd.s32 s8, s5;
	s7 =	sadd.s32 s7, s5  }
0xb: {  	s9 =	ssub.s32 s6, s31;
	s5 =	sadd.s32 $0x1200, s8;
	s6 =	sadd.s32 $0x7800, s7  }
0xc: {  	v0 =	vimm.f32 $0.0e+00;
	s7 =	smax.u32 s9, $0x1;
	s8 =	simm.s32 $0x3E80;
	s9 =	simm.s32 $0x3  }
.LBB2_1:
0xd: {  	[tilespmem:s8], [sflag:$0x3] =	stream.linear.gather [hbm4b:s5+s3], $0x80, $0x38;
	[tilespmem:$0x15780] =	vst v63  }
0xe: {  	_ =	swait.ge [sflag:s9], $0x80  }
0xf: {  	[sflag:s9] =	ssyncset.done $0x0  }
0x10: {  	s16 =	simm.s32 $0x3F40;
	[sflag:s9] =	ssyncadd.s32 $0xFFFFFF80  }
0x11: {  	[tilespmem:s16+$0xFFFFFFC0] =	vst v0  }
0x12: {  	[tilespmem:s16+$0x30] =	vst v0  }
0x13: {  	[tilespmem:s16+$0x20] =	vst v0  }
0x14: {  	[tilespmem:s16+$0x10] =	vst v0  }
0x15: {  	[tilespmem:s16+$0x0] =	vst v0  }
0x16: {  	[tilespmem:s16+$0xFFFFFFF0] =	vst v0  }
0x17: {  	s17 =	simm.s32 $0x0;
	[tilespmem:s16+$0xFFFFFFE0] =	vst v0  }
.LBB2_2:
0x18: {  	s17 =	sadd.s32 $0x80, s17;
	[tilespmem:s16+$0xFFFFFFD0] =	vst v0;
	s16 =	sadd.s32 $0x80, s16  }
0x19: {  	[tilespmem:s16+$0xFFFFFFC0] =	vst v0;
	p0 =	slt.u32 s17, $0x10780  }
0x1a: {  	[tilespmem:s16+$0x30] =	vst v0  }
.Ltmp0:
0x1b: {  	[tilespmem:s16+$0x20] =	vst v0;
	(pc) =	sbr.rel @p0 .LBB2_2-.Ltmp0, $4  }
0x1c: {  	[tilespmem:s16+$0x10] =	vst v0  }
0x1d: {  	[tilespmem:s16+$0x0] =	vst v0  }
0x1e: {  	[tilespmem:s16+$0xFFFFFFF0] =	vst v0  }
0x1f: {  	[tilespmem:s16+$0xFFFFFFE0] =	vst v0  }
0x20: {  	[tilespmem:s16+$0xFFFFFFD0] =	vst v0  }
0x21: {  	[tilespmem:$0x14700] =	vst v0  }
0x22: {  	[tilespmem:s3], [sflag:$0x1] =	stream.linear.gather [hbm4b:s4+s3], $0x3200, $0x38;
	[tilespmem:$0x15780] =	vst v63  }
0x23: {  	_ = 	snop  }
0x24: {  	[tilespmem:s10], [sflag:$0x2] =	stream.linear.gather [hbm4b:s2+s3], $0xC80, $0x38;
	[tilespmem:$0x15780] =	vst v63  }
0x25: {  	_ =	swait.ge [sflag:s11], $0x3200  }
0x26: {  	[sflag:s11] =	ssyncset.done $0x0  }
0x27: {  	[sflag:s11] =	ssyncadd.s32 $0xFFFFCE00  }
0x28: {  	_ =	swait.ge [sflag:s12], $0xC80  }
0x29: {  	[sflag:s12] =	ssyncset.done $0x0  }
0x2a: {  	s16 =	simm.s32 $0x70;
	[sflag:s12] =	ssyncadd.s32 $0xFFFFF380  }
0x2b: {  	s17 =	simm.s32 $0x0;
	v1 =	vld [tilespmem:s16+$0x0]  }
.LBB2_4:
0x2c: {  	s17 =	sadd.s32 $0x80, s17  }
0x2d: {  	p0 =	slt.u32 s17, $0xC00  }
.Ltmp1:
0x2e: {  	_ = 	snop;
	(pc) =	sbr.rel @p0 .LBB2_4-.Ltmp1, $3  }
0x2f: {  	_ =	sdelay $0x1  }
0x30: {  	s16 =	sadd.s32 $0x200, s16;
	[tilespmem:$0x3F00] =	vst v1  }
0x31: {  	v1 =	vld [tilespmem:s16+$0x0]  }
0x32: {  	_ =	sdelay $0x3  }
0x33: {  	s16 =	simm.s32 $0x0;
	[tilespmem:$0x3F00] =	vst v1  }
0x34: {  	v17 =	vld [tilespmem:s16+$0x6022]  }
0x35: {  	v6 =	vld [tilespmem:s16+$0x115AD]  }
0x36: {  	v5 =	vld [tilespmem:s16+$0x1052C]  }
0x37: {  	v18 =	vld [tilespmem:s16+$0x6012]  }
0x38: {  	v19 =	vld [tilespmem:s16+$0x6002]  }
0x39: {  	v1 =	vld [tilespmem:s16+$0x4FF1]  }
0x3a: {  	v2 =	vld [tilespmem:s16+$0x4F91]  }
0x3b: {  	v20 =	vld [tilespmem:s16+$0x4FD1]  }
0x3c: {  	v3 =	vld [tilespmem:s16+$0x1057C]  }
0x3d: {  	v21 =	vld [tilespmem:s16+$0xF4FB]  }
0x3e: {  	v16 =	vld [tilespmem:s16+$0x4FE1]  }
0x3f: {  	v22 =	vld [tilespmem:s16+$0xF4EB]  }
0x40: {  	v23 =	vld [tilespmem:s16+$0xE47A]  }
0x41: {  	v24 =	vld [tilespmem:s16+$0xE46A]  }
0x42: {  	v25 =	vld [tilespmem:s16+$0xD3E9]  }
0x43: {  	v26 =	vld [tilespmem:s16+$0x3F70]  }
0x44: {  	v27 =	vld [tilespmem:s16+$0x3F60]  }
0x45: {  	v28 =	vld [tilespmem:s16+$0x3F50]  }
0x46: {  	v29 =	vld [tilespmem:s16+$0xC378]  }
0x47: {  	v30 =	vld [tilespmem:s16+$0x6032]  }
0x48: {  	v4 =	vld [tilespmem:s16+$0x6042]  }
0x49: {  	v31 =	vld [tilespmem:s16+$0x6052]  }
0x4a: {  	v32 =	vld [tilespmem:s16+$0x6062]  }
0x4b: {  	v33 =	vld [tilespmem:s16+$0x6072]  }
0x4c: {  	v34 =	vld [tilespmem:s16+$0x7083]  }
0x4d: {  	v35 =	vld [tilespmem:s16+$0x7093]  }
0x4e: {  	v36 =	vld [tilespmem:s16+$0x70A3]  }
0x4f: {  	v37 =	vld [tilespmem:s16+$0x70B3]  }
0x50: {  	v9 =	vld [tilespmem:s16+$0x70C3]  }
0x51: {  	v7 =	vld [tilespmem:s16+$0x70D3]  }
0x52: {  	v38 =	vld [tilespmem:s16+$0x70E3]  }
0x53: {  	v39 =	vld [tilespmem:s16+$0x70F3]  }
0x54: {  	v40 =	vld [tilespmem:s16+$0x8104]  }
0x55: {  	v41 =	vld [tilespmem:s16+$0x8114]  }
0x56: {  	v42 =	vld [tilespmem:s16+$0x8124]  }
0x57: {  	v43 =	vld [tilespmem:s16+$0x8134]  }
0x58: {  	v11 =	vld [tilespmem:s16+$0x8144]  }
0x59: {  	v8 =	vld [tilespmem:s16+$0x8154]  }
0x5a: {  	v44 =	vld [tilespmem:s16+$0x8164]  }
0x5b: {  	v45 =	vld [tilespmem:s16+$0x8174]  }
0x5c: {  	v46 =	vld [tilespmem:s16+$0x9185]  }
0x5d: {  	v47 =	vld [tilespmem:s16+$0x9195]  }
0x5e: {  	v48 =	vld [tilespmem:s16+$0x91A5]  }
0x5f: {  	v49 =	vld [tilespmem:s16+$0x91B5]  }
0x60: {  	v12 =	vld [tilespmem:s16+$0x91C5]  }
0x61: {  	v10 =	vld [tilespmem:s16+$0x91D5]  }
0x62: {  	v50 =	vld [tilespmem:s16+$0x91E5]  }
0x63: {  	v51 =	vld [tilespmem:s16+$0x91F5]  }
0x64: {  	v52 =	vld [tilespmem:s16+$0xA206]  }
0x65: {  	v53 =	vld [tilespmem:s16+$0xA216]  }
0x66: {  	v14 =	vimm.f32 $0.0e+00;
	v54 =	vld [tilespmem:s16+$0xA226]  }
0x67: {  	v55 =	vld [tilespmem:s16+$0xA236];
	v27 =	vadd.f32 v27, v14  }
0x68: {  	v13 =	vld [tilespmem:s16+$0xA246];
	v26 =	vadd.f32 v26, v14  }
0x69: {  	v15 =	vld [tilespmem:s16+$0xA256];
	v16 =	vadd.f32 v16, v27  }
0x6a: {  	v56 =	vld [tilespmem:s16+$0xA266];
	v1 =	vadd.f32 v1, v26  }
0x6b: {  	v57 =	vld [tilespmem:s16+$0xA276];
	v16 =	vadd.f32 v32, v16  }
0x6c: {  	v58 =	vld [tilespmem:s16+$0xB297];
	v33 =	vadd.f32 v33, v1  }
0x6d: {  	v60 =	vld [tilespmem:s16+$0xB2E7];
	v38 =	vadd.f32 v38, v16  }
0x6e: {  	v61 =	vld [tilespmem:s16+$0xB2F7];
	v33 =	vadd.f32 v39, v33  }
0x6f: {  	v62 =	vld [tilespmem:s16+$0xC368];
	v38 =	vadd.f32 v44, v38  }
0x70: {  	v63 =	vld [tilespmem:s16+$0xD3F9];
	v33 =	vadd.f32 v45, v33  }
0x71: {  	v59 =	vld [tilespmem:s16+$0x3F10];
	v38 =	vadd.f32 v50, v38  }
0x72: {  	v27 =	vld [tilespmem:s16+$0xB287];
	v33 =	vadd.f32 v51, v33  }
0x73: {  	v26 =	vld [tilespmem:s16+$0xB2A7];
	v38 =	vadd.f32 v56, v38  }
0x74: {  	v32 =	vld [tilespmem:s16+$0xB2B7];
	v33 =	vadd.f32 v57, v33  }
0x75: {  	v1 =	vld [tilespmem:s16+$0xB2C7];
	v38 =	vadd.f32 v60, v38  }
0x76: {  	v16 =	vld [tilespmem:s16+$0xB2D7];
	v33 =	vadd.f32 v61, v33  }
0x77: {  	v39 =	vld [tilespmem:s16+$0x3F00];
	v38 =	vadd.f32 v62, v38  }
0x78: {  	v45 =	vld [tilespmem:s16+$0x115BD];
	v29 =	vadd.f32 v29, v33  }
0x79: {  	v44 =	vadd.f32 v59, v14;
	v59 =	vld [tilespmem:s16+$0x4FA1];
	v25 =	vadd.f32 v25, v38  }
0x7a: {  	v60 =	vld [tilespmem:s16+$0x1056C];
	v29 =	vadd.f32 v63, v29  }
0x7b: {  	v50 =	vld [tilespmem:s16+$0xE43A];
	v24 =	vadd.f32 v24, v25  }
0x7c: {  	v25 =	vld [tilespmem:s16+$0x115ED];
	v23 =	vadd.f32 v23, v29  }
0x7d: {  	v61 =	vld [tilespmem:s16+$0x115FD];
	v22 =	vadd.f32 v22, v24  }
0x7e: {  	v24 =	vld [tilespmem:s16+$0x1266E];
	v21 =	vadd.f32 v21, v23  }
0x7f: {  	v62 =	vld [tilespmem:s16+$0x1267E];
	v22 =	vadd.f32 v60, v22  }
0x80: {  	v23 =	vld [tilespmem:s16+$0x136EF];
	v3 =	vadd.f32 v3, v21  }
0x81: {  	v63 =	vld [tilespmem:s16+$0x136FF];
	v60 =	vadd.f32 v2, v44;
	v21 =	vadd.f32 v25, v22  }
0x82: {  	v22 =	vld [tilespmem:s16+$0x4F81];
	v3 =	vadd.f32 v61, v3  }
0x83: {  	v25 =	vld [tilespmem:s16+$0x3F20];
	v18 =	vadd.f32 v18, v60;
	v21 =	vadd.f32 v24, v21  }
0x84: {  	v51 =	vld [tilespmem:s16+$0xD399];
	v61 =	vadd.f32 v39, v14;
	v29 =	vadd.f32 v62, v3  }
0x85: {  	v24 =	vld [tilespmem:s16+$0x3F30];
	v18 =	vadd.f32 v35, v18;
	v3 =	vadd.f32 v23, v21  }
0x86: {  	v44 =	vld [tilespmem:s16+$0x3F40];
	v23 =	vadd.f32 v28, v14;
	v2 =	vadd.f32 v63, v29  }
0x87: {  	v21 =	vld [tilespmem:s16+$0x4FB1];
	v18 =	vadd.f32 v41, v18;
	v22 =	vadd.f32 v22, v61  }
0x88: {  	v56 =	vld [tilespmem:s16+$0xF4BB];
	v25 =	vadd.f32 v25, v14;
	v20 =	vadd.f32 v20, v23  }
0x89: {  	v57 =	vld [tilespmem:s16+$0x1053C];
	v18 =	vadd.f32 v47, v18;
	v19 =	vadd.f32 v19, v22  }
0x8a: {  	v60 =	vld [tilespmem:s16+$0xF48B];
	v24 =	vadd.f32 v24, v14;
	v25 =	vadd.f32 v59, v25  }
0x8b: {  	v62 =	vld [tilespmem:s16+$0xD3A9];
	v14 =	vadd.f32 v44, v14;
	v20 =	vadd.f32 v31, v20  }
0x8c: {  	v41 =	vld [tilespmem:s16+$0xC318];
	v21 =	vadd.f32 v21, v24;
	v17 =	vadd.f32 v17, v25  }
0x8d: {  	v28 =	vld [tilespmem:s16+$0xE42A];
	v18 =	vadd.f32 v53, v18;
	v19 =	vadd.f32 v34, v19  }
0x8e: {  	v63 =	vld [tilespmem:s16+$0xC338];
	v21 =	vadd.f32 v30, v21;
	v17 =	vadd.f32 v36, v17  }
0x8f: {  	v47 =	vld [tilespmem:s16+$0xC308];
	v18 =	vadd.f32 v58, v18;
	v19 =	vadd.f32 v40, v19  }
0x90: {  	v25 =	vld [tilespmem:s16+$0x4FC1];
	v21 =	vadd.f32 v37, v21;
	v17 =	vadd.f32 v42, v17  }
0x91: {  	v59 =	vld [tilespmem:s16+$0xF49B];
	v18 =	vadd.f32 v41, v18;
	v19 =	vadd.f32 v46, v19  }
0x92: {  	v58 =	vld [tilespmem:s16+$0xE41A];
	v21 =	vadd.f32 v43, v21;
	v17 =	vadd.f32 v48, v17  }
0x93: {  	v24 =	vld [tilespmem:s16+$0xC328];
	v18 =	vadd.f32 v51, v18;
	v19 =	vadd.f32 v52, v19  }
0x94: {  	v53 =	vld [tilespmem:s16+$0xD389];
	v21 =	vadd.f32 v49, v21;
	v17 =	vadd.f32 v54, v17  }
0x95: {  	v14 =	vadd.f32 v25, v14;
	v19 =	vadd.f32 v27, v19;
	v27 =	vld [tilespmem:s16+$0xE40A]  }
0x96: {  	v21 =	vadd.f32 v55, v21;
	v17 =	vadd.f32 v26, v17;
	v26 =	vld [tilespmem:s16+$0x1051C]  }
0x97: {  	v22 =	vld [tilespmem:s16+$0xD3B9];
	v18 =	vadd.f32 v58, v18;
	v19 =	vadd.f32 v47, v19  }
0x98: {  	v21 =	vadd.f32 v32, v21;
	v17 =	vadd.f32 v24, v17;
	v24 =	vld [tilespmem:s16+$0x1159D]  }
0x99: {  	v23 =	vld [tilespmem:s16+$0xF4AB];
	v18 =	vadd.f32 v59, v18;
	v19 =	vadd.f32 v53, v19  }
0x9a: {  	v21 =	vadd.f32 v63, v21;
	v17 =	vadd.f32 v62, v17;
	v62 =	vld [tilespmem:s16+$0x1261E]  }
0x9b: {  	v61 =	vld [tilespmem:s16+$0x1050C];
	v19 =	vadd.f32 v27, v19;
	v18 =	vadd.f32 v26, v18  }
0x9c: {  	v21 =	vadd.f32 v22, v21;
	v17 =	vadd.f32 v28, v17;
	v22 =	vld [tilespmem:s16+$0x1369F]  }
0x9d: {  	v38 =	vld [tilespmem:s16+$0x1263E];
	v4 =	vadd.f32 v4, v14;
	v18 =	vadd.f32 v24, v18  }
0x9e: {  	v27 =	vld [tilespmem:s16+$0x1158D];
	v19 =	vadd.f32 v60, v19;
	v17 =	vadd.f32 v23, v17  }
0x9f: {  	v4 =	vadd.f32 v9, v4;
	v9 =	vld [tilespmem:s16+$0x136CF];
	v18 =	vadd.f32 v62, v18  }
0xa0: {  	v63 =	vld [tilespmem:s16+$0x1260E];
	v19 =	vadd.f32 v61, v19;
	v17 =	vadd.f32 v5, v17  }
0xa1: {  	v23 =	vld [tilespmem:s16+$0x1262E];
	v5 =	vadd.f32 v22, v18;
	v22 =	vadd.f32 v7, v20  }
0xa2: {  	v26 =	vld [tilespmem:s16+$0x1368F]  }
0xa3: {  	v24 =	vadd.f32 v27, v19;
	v27 =	vld [tilespmem:s16+$0x136AF];
	v8 =	vadd.f32 v8, v22  }
0xa4: {  	v19 =	vld [tilespmem:s16+$0xE44A];
	v6 =	vadd.f32 v6, v17  }
0xa5: {  	v18 =	vld [tilespmem:s16+$0x136BF];
	v10 =	vadd.f32 v10, v8  }
0xa6: {  	v17 =	vld [tilespmem:s16+$0xC358];
	v6 =	vadd.f32 v23, v6  }
0xa7: {  	v21 =	vadd.f32 v50, v21;
	v20 =	vld [tilespmem:s16+$0xF4CB];
	v15 =	vadd.f32 v15, v10  }
0xa8: {  	v8 =	vadd.f32 v27, v6;
	v6 =	vld [tilespmem:s16+$0xD3D9]  }
0xa9: {  	v21 =	vadd.f32 v56, v21;
	v22 =	vld [tilespmem:s16+$0x1054C];
	v15 =	vadd.f32 v16, v15  }
0xaa: {  	v24 =	vadd.f32 v63, v24;
	v16 =	vld [tilespmem:s16+$0xE45A]  }
0xab: {  	v21 =	vadd.f32 v57, v21;
	v23 =	vld [tilespmem:s16+$0x115CD];
	v14 =	vadd.f32 v17, v15  }
0xac: {  	v7 =	vadd.f32 v26, v24;
	v15 =	vld [tilespmem:s16+$0xF4DB]  }
0xad: {  	v21 =	vadd.f32 v45, v21;
	v24 =	vld [tilespmem:s16+$0x1264E];
	v6 =	vadd.f32 v6, v14  }
0xae: {  	[tilespmem:s16+$0x147E0] =	vst v3;
	v17 =	vadd.f32 v11, v4;
	v14 =	vld [tilespmem:s16+$0x1055C]  }
0xaf: {  	[tilespmem:s16+$0x147F0] =	vst v2;
	v21 =	vadd.f32 v38, v21;
	v11 =	vld [tilespmem:s16+$0x136DF];
	v16 =	vadd.f32 v16, v6  }
0xb0: {  	[tilespmem:s16+$0x14790] =	vst v5;
	v4 =	vld [tilespmem:s16+$0x115DD];
	v17 =	vadd.f32 v12, v17  }
0xb1: {  	[tilespmem:s16+$0x14780] =	vst v7;
	v10 =	vadd.f32 v18, v21;
	v6 =	vld [tilespmem:s16+$0xC348];
	v16 =	vadd.f32 v15, v16  }
0xb2: {  	[tilespmem:s16+$0x147A0] =	vst v8;
	v12 =	vld [tilespmem:s16+$0x1265E];
	v15 =	vadd.f32 v13, v17  }
0xb3: {  	s17 =	simm.s32 $0x200;
	[tilespmem:s16+$0x147B0] =	vst v10;
	v13 =	vld [tilespmem:s16+$0xD3C9];
	v14 =	vadd.f32 v14, v16  }
.LBB2_6:
0xb4: {  	s18 =	sshra.s32 s17, $0x2;
	p0 =	sne.s32 s17, $0x3E00;
	s17 =	sadd.s32 $0x200, s17;
	v1 =	vadd.f32 v1, v15  }
0xb5: {  	v16 =	vld [tilespmem:s18+$0x6022];
	v14 =	vadd.f32 v4, v14  }
0xb6: {  	v4 =	vld [tilespmem:s18+$0x115AD];
	v1 =	vadd.f32 v6, v1  }
0xb7: {  	v6 =	vld [tilespmem:s18+$0x1052C];
	v12 =	vadd.f32 v12, v14  }
0xb8: {  	v18 =	vld [tilespmem:s18+$0x6012];
	v1 =	vadd.f32 v13, v1  }
0xb9: {  	v17 =	vld [tilespmem:s18+$0x6002];
	v12 =	vadd.f32 v11, v12  }
0xba: {  	v14 =	vld [tilespmem:s18+$0x4FF1];
	v1 =	vadd.f32 v19, v1  }
0xbb: {  	v19 =	vld [tilespmem:s18+$0x4F91];
	[tilespmem:s16+$0x147D0] =	vst v12  }
0xbc: {  	v13 =	vld [tilespmem:s18+$0x4FD1];
	v1 =	vadd.f32 v20, v1  }
0xbd: {  	v25 =	vld [tilespmem:s18+$0x1057C]  }
0xbe: {  	v29 =	vld [tilespmem:s18+$0xF4FB];
	v1 =	vadd.f32 v22, v1  }
0xbf: {  	v15 =	vld [tilespmem:s18+$0x4FE1]  }
0xc0: {  	v33 =	vld [tilespmem:s18+$0xF4EB];
	v1 =	vadd.f32 v23, v1  }
0xc1: {  	v38 =	vld [tilespmem:s18+$0xE47A]  }
0xc2: {  	v44 =	vld [tilespmem:s18+$0xE46A];
	v1 =	vadd.f32 v24, v1  }
0xc3: {  	v35 =	vld [tilespmem:s18+$0xD3E9]  }
0xc4: {  	v21 =	vld [tilespmem:s18+$0x3F70];
	v11 =	vadd.f32 v9, v1  }
0xc5: {  	v1 =	vld [tilespmem:s18+$0x3F60]  }
0xc6: {  	v22 =	vld [tilespmem:s18+$0x3F50];
	[tilespmem:s16+$0x147C0] =	vst v11;
	s16 =	smov.u32 s18  }
0xc7: {  	v36 =	vld [tilespmem:s16+$0xC378]  }
0xc8: {  	v20 =	vld [tilespmem:s16+$0x6032]  }
0xc9: {  	v9 =	vld [tilespmem:s16+$0x6042]  }
0xca: {  	v26 =	vld [tilespmem:s16+$0x6052]  }
0xcb: {  	v12 =	vadd.f32 v22, v12;
	v27 =	vld [tilespmem:s16+$0x6062]  }
0xcc: {  	v1 =	vadd.f32 v1, v3;
	v3 =	vld [tilespmem:s16+$0x6072]  }
0xcd: {  	v24 =	vld [tilespmem:s16+$0x7083];
	v12 =	vadd.f32 v13, v12  }
0xce: {  	v1 =	vadd.f32 v15, v1;
	v28 =	vld [tilespmem:s16+$0x7093]  }
0xcf: {  	v23 =	vld [tilespmem:s16+$0x70A3];
	v13 =	vadd.f32 v26, v12  }
0xd0: {  	v22 =	vld [tilespmem:s16+$0x70B3];
	v1 =	vadd.f32 v27, v1  }
0xd1: {  	v12 =	vld [tilespmem:s16+$0x70C3]  }
0xd2: {  	v15 =	vld [tilespmem:s16+$0x70D3]  }
0xd3: {  	v31 =	vld [tilespmem:s16+$0x70E3]  }
0xd4: {  	v32 =	vld [tilespmem:s16+$0x70F3]  }
0xd5: {  	v30 =	vld [tilespmem:s16+$0x8104]  }
0xd6: {  	v34 =	vld [tilespmem:s16+$0x8114]  }
0xd7: {  	v27 =	vld [tilespmem:s16+$0x8124];
	v15 =	vadd.f32 v15, v13  }
0xd8: {  	v26 =	vld [tilespmem:s16+$0x8134];
	v37 =	vadd.f32 v31, v1  }
0xd9: {  	v1 =	vadd.f32 v21, v2;
	v13 =	vld [tilespmem:s16+$0x8144]  }
0xda: {  	v2 =	vld [tilespmem:s16+$0x8154]  }
0xdb: {  	v1 =	vadd.f32 v14, v1;
	v21 =	vld [tilespmem:s16+$0x8164]  }
0xdc: {  	v40 =	vld [tilespmem:s16+$0x8174]  }
0xdd: {  	v1 =	vadd.f32 v3, v1;
	v39 =	vld [tilespmem:s16+$0x9185]  }
0xde: {  	v45 =	vld [tilespmem:s16+$0x9195]  }
0xdf: {  	v1 =	vadd.f32 v32, v1;
	v31 =	vld [tilespmem:s16+$0x91A5];
	v2 =	vadd.f32 v2, v15  }
0xe0: {  	v32 =	vld [tilespmem:s16+$0x91B5]  }
0xe1: {  	v14 =	vld [tilespmem:s16+$0x91C5];
	v1 =	vadd.f32 v40, v1  }
0xe2: {  	v3 =	vld [tilespmem:s16+$0x91D5]  }
0xe3: {  	v40 =	vld [tilespmem:s16+$0x91E5]  }
0xe4: {  	v42 =	vld [tilespmem:s16+$0x91F5]  }
0xe5: {  	v47 =	vld [tilespmem:s16+$0xA206]  }
0xe6: {  	v49 =	vld [tilespmem:s16+$0xA216]  }
0xe7: {  	v43 =	vld [tilespmem:s16+$0xA226];
	v2 =	vadd.f32 v3, v2  }
0xe8: {  	v41 =	vld [tilespmem:s16+$0xA236]  }
0xe9: {  	v15 =	vld [tilespmem:s16+$0xA246];
	v3 =	vadd.f32 v42, v1  }
0xea: {  	v42 =	vld [tilespmem:s16+$0xA256]  }
0xeb: {  	v52 =	vld [tilespmem:s16+$0xA266]  }
0xec: {  	v53 =	vld [tilespmem:s16+$0xA276]  }
0xed: {  	v50 =	vld [tilespmem:s16+$0xB287]  }
0xee: {  	v51 =	vld [tilespmem:s16+$0xB297]  }
0xef: {  	v48 =	vld [tilespmem:s16+$0xB2A7]  }
0xf0: {  	v46 =	vld [tilespmem:s16+$0xB2B7]  }
0xf1: {  	v1 =	vld [tilespmem:s16+$0xB2C7]  }
0xf2: {  	v21 =	vadd.f32 v21, v37;
	v54 =	vld [tilespmem:s16+$0xB2D7]  }
0xf3: {  	v37 =	vld [tilespmem:s16+$0xB2E7]  }
0xf4: {  	v21 =	vadd.f32 v40, v21;
	v55 =	vld [tilespmem:s16+$0xB2F7]  }
0xf5: {  	v2 =	vadd.f32 v42, v2;
	v56 =	vld [tilespmem:s16+$0xC368]  }
0xf6: {  	v52 =	vadd.f32 v52, v21;
	v42 =	vld [tilespmem:s16+$0xE43A]  }
0xf7: {  	v21 =	vadd.f32 v54, v2;
	v2 =	vadd.f32 v53, v3;
	v3 =	vld [tilespmem:s16+$0xD3F9]  }
0xf8: {  	v40 =	vld [tilespmem:s16+$0xF4BB];
	v52 =	vadd.f32 v37, v52  }
0xf9: {  	v53 =	vld [tilespmem:s16+$0x3F00];
	v2 =	vadd.f32 v55, v2  }
0xfa: {  	v37 =	vld [tilespmem:s16+$0x1053C];
	v52 =	vadd.f32 v56, v52  }
0xfb: {  	v54 =	vld [tilespmem:s16+$0x3F10];
	v2 =	vadd.f32 v36, v2  }
0xfc: {  	v36 =	vld [tilespmem:s16+$0x115BD];
	v52 =	vadd.f32 v35, v52  }
0xfd: {  	v55 =	vld [tilespmem:s16+$0x1056C];
	v2 =	vadd.f32 v3, v2  }
0xfe: {  	v35 =	vld [tilespmem:s16+$0x1263E];
	v3 =	vadd.f32 v44, v52  }
0xff: {  	v44 =	vld [tilespmem:s16+$0x115ED];
	v2 =	vadd.f32 v38, v2  }
0x100: {  	v3 =	vadd.f32 v33, v3;
	v33 =	vld [tilespmem:s16+$0x115FD]  }
0x101: {  	v38 =	vld [tilespmem:s16+$0x1266E];
	v2 =	vadd.f32 v29, v2  }
0x102: {  	v3 =	vadd.f32 v55, v3;
	v29 =	vld [tilespmem:s16+$0x1267E]  }
0x103: {  	v52 =	vld [tilespmem:s16+$0x136EF];
	v2 =	vadd.f32 v25, v2  }
0x104: {  	v3 =	vadd.f32 v44, v3;
	v25 =	vld [tilespmem:s16+$0x136FF]  }
0x105: {  	v44 =	vld [tilespmem:s16+$0x4F81];
	v2 =	vadd.f32 v33, v2  }
0x106: {  	v33 =	vld [tilespmem:s16+$0x3F20];
	v3 =	vadd.f32 v38, v3  }
0x107: {  	v5 =	vadd.f32 v54, v5;
	v38 =	vld [tilespmem:s16+$0x3F30];
	v2 =	vadd.f32 v29, v2  }
0x108: {  	v7 =	vadd.f32 v53, v7;
	v29 =	vld [tilespmem:s16+$0x4FA1];
	v3 =	vadd.f32 v52, v3  }
0x109: {  	v5 =	vadd.f32 v19, v5;
	v19 =	vld [tilespmem:s16+$0x4FB1];
	v2 =	vadd.f32 v25, v2  }
0x10a: {  	v7 =	vadd.f32 v44, v7;
	v25 =	vld [tilespmem:s16+$0x3F40];
	[tilespmem:s16+$0x147E0] =	vst v3  }
0x10b: {  	v5 =	vadd.f32 v18, v5;
	v8 =	vadd.f32 v33, v8;
	v18 =	vld [tilespmem:s16+$0xF4AB];
	[tilespmem:s16+$0x147F0] =	vst v2  }
0x10c: {  	v7 =	vadd.f32 v17, v7;
	v17 =	vld [tilespmem:s16+$0xE42A];
	v10 =	vadd.f32 v38, v10  }
0x10d: {  	v5 =	vadd.f32 v28, v5;
	v8 =	vadd.f32 v29, v8;
	v28 =	vld [tilespmem:s16+$0xD3B9]  }
0x10e: {  	v7 =	vadd.f32 v24, v7;
	v24 =	vld [tilespmem:s16+$0xD3A9];
	v10 =	vadd.f32 v19, v10  }
0x10f: {  	v5 =	vadd.f32 v34, v5;
	v8 =	vadd.f32 v16, v8;
	v16 =	vld [tilespmem:s16+$0xC338]  }
0x110: {  	v7 =	vadd.f32 v30, v7;
	v19 =	vld [tilespmem:s16+$0xC328];
	v10 =	vadd.f32 v20, v10  }
0x111: {  	v5 =	vadd.f32 v45, v5;
	v8 =	vadd.f32 v23, v8;
	v23 =	vld [tilespmem:s16+$0x4FC1]  }
0x112: {  	v7 =	vadd.f32 v39, v7;
	v20 =	vld [tilespmem:s16+$0xC318];
	v10 =	vadd.f32 v22, v10  }
0x113: {  	v5 =	vadd.f32 v49, v5;
	v22 =	vld [tilespmem:s16+$0xC308];
	v8 =	vadd.f32 v27, v8  }
0x114: {  	v7 =	vadd.f32 v47, v7;
	v27 =	vld [tilespmem:s16+$0xD399];
	v10 =	vadd.f32 v26, v10  }
0x115: {  	v5 =	vadd.f32 v51, v5;
	v26 =	vld [tilespmem:s16+$0xD389];
	v8 =	vadd.f32 v31, v8  }
0x116: {  	v7 =	vadd.f32 v50, v7;
	v29 =	vld [tilespmem:s16+$0xE41A];
	v10 =	vadd.f32 v32, v10  }
0x117: {  	v30 =	vld [tilespmem:s16+$0xE40A];
	v5 =	vadd.f32 v20, v5;
	v8 =	vadd.f32 v43, v8  }
0x118: {  	v7 =	vadd.f32 v22, v7;
	v20 =	vld [tilespmem:s16+$0xF49B];
	v10 =	vadd.f32 v41, v10  }
0x119: {  	v22 =	vld [tilespmem:s16+$0xF48B];
	v5 =	vadd.f32 v27, v5;
	v8 =	vadd.f32 v48, v8  }
0x11a: {  	v7 =	vadd.f32 v26, v7;
	v26 =	vld [tilespmem:s16+$0x1051C];
	v10 =	vadd.f32 v46, v10  }
0x11b: {  	v27 =	vld [tilespmem:s16+$0x1050C];
	v5 =	vadd.f32 v29, v5;
	v8 =	vadd.f32 v19, v8  }
0x11c: {  	v7 =	vadd.f32 v30, v7;
	v19 =	vld [tilespmem:s16+$0x1159D];
	v10 =	vadd.f32 v16, v10  }
0x11d: {  	v16 =	vld [tilespmem:s16+$0x1158D];
	v5 =	vadd.f32 v20, v5;
	v8 =	vadd.f32 v24, v8  }
0x11e: {  	v7 =	vadd.f32 v22, v7;
	v20 =	vld [tilespmem:s16+$0x1261E];
	v10 =	vadd.f32 v28, v10  }
0x11f: {  	v22 =	vld [tilespmem:s16+$0x1260E];
	v5 =	vadd.f32 v26, v5;
	v8 =	vadd.f32 v17, v8  }
0x120: {  	v7 =	vadd.f32 v27, v7;
	v17 =	vld [tilespmem:s16+$0x1369F];
	v10 =	vadd.f32 v42, v10  }
0x121: {  	v24 =	vld [tilespmem:s16+$0x1368F];
	v5 =	vadd.f32 v19, v5;
	v8 =	vadd.f32 v18, v8  }
0x122: {  	v7 =	vadd.f32 v16, v7;
	v16 =	vld [tilespmem:s16+$0x1262E];
	v10 =	vadd.f32 v40, v10  }
0x123: {  	v5 =	vadd.f32 v20, v5;
	v6 =	vadd.f32 v6, v8;
	v19 =	vld [tilespmem:s16+$0xE44A]  }
0x124: {  	v7 =	vadd.f32 v22, v7;
	v8 =	vld [tilespmem:s16+$0x136AF];
	v10 =	vadd.f32 v37, v10  }
0x125: {  	v5 =	vadd.f32 v17, v5;
	v4 =	vadd.f32 v4, v6;
	v6 =	vld [tilespmem:s16+$0x136BF]  }
0x126: {  	v7 =	vadd.f32 v24, v7;
	v10 =	vadd.f32 v36, v10;
	v20 =	vld [tilespmem:s16+$0xF4CB]  }
0x127: {  	v11 =	vadd.f32 v25, v11;
	[tilespmem:s16+$0x14790] =	vst v5;
	v4 =	vadd.f32 v16, v4;
	v16 =	vld [tilespmem:s16+$0xC358]  }
0x128: {  	[tilespmem:s16+$0x14780] =	vst v7;
	v10 =	vadd.f32 v35, v10;
	v22 =	vld [tilespmem:s16+$0x1054C]  }
0x129: {  	v8 =	vadd.f32 v8, v4;
	v4 =	vadd.f32 v23, v11;
	v11 =	vld [tilespmem:s16+$0xD3D9]  }
0x12a: {  	v10 =	vadd.f32 v6, v10;
	v23 =	vld [tilespmem:s16+$0x115CD]  }
0x12b: {  	[tilespmem:s16+$0x147A0] =	vst v8;
	v4 =	vadd.f32 v9, v4;
	v6 =	vld [tilespmem:s16+$0xE45A]  }
0x12c: {  	[tilespmem:s16+$0x147B0] =	vst v10;
	v24 =	vld [tilespmem:s16+$0x1264E];
	v16 =	vadd.f32 v16, v21  }
0x12d: {  	v4 =	vadd.f32 v12, v4;
	v12 =	vld [tilespmem:s16+$0xF4DB]  }
0x12e: {  	v9 =	vld [tilespmem:s16+$0x136CF];
	v11 =	vadd.f32 v11, v16  }
0x12f: {  	v4 =	vadd.f32 v13, v4;
	v16 =	vld [tilespmem:s16+$0x1055C]  }
.Ltmp2:
0x130: {  	v13 =	vadd.f32 v6, v11;
	v11 =	vld [tilespmem:s16+$0x136DF];
	(pc) =	sbr.rel @p0 .LBB2_6-.Ltmp2, $4  }
0x131: {  	v14 =	vadd.f32 v14, v4;
	v4 =	vld [tilespmem:s16+$0x115DD]  }
0x132: {  	v6 =	vld [tilespmem:s16+$0xC348];
	v17 =	vadd.f32 v12, v13  }
0x133: {  	v15 =	vadd.f32 v15, v14;
	v12 =	vld [tilespmem:s16+$0x1265E]  }
0x134: {  	v13 =	vld [tilespmem:s16+$0xD3C9];
	v14 =	vadd.f32 v16, v17  }
0x135: {  	v1 =	vadd.f32 v1, v15;
	_ =	sdelay $0x1  }
0x136: {  	v1 =	vadd.f32 v6, v1;
	_ =	sdelay $0x1  }
0x137: {  	v1 =	vadd.f32 v13, v1;
	_ =	sdelay $0x1  }
0x138: {  	v1 =	vadd.f32 v19, v1;
	_ =	sdelay $0x1  }
0x139: {  	v1 =	vadd.f32 v20, v1;
	_ =	sdelay $0x1  }
0x13a: {  	v1 =	vadd.f32 v22, v1  }
0x13b: {  	v2 =	vadd.f32 v4, v14  }
0x13c: {  	v1 =	vadd.f32 v23, v1  }
0x13d: {  	v2 =	vadd.f32 v12, v2  }
0x13e: {  	v1 =	vadd.f32 v24, v1  }
0x13f: {  	v2 =	vadd.f32 v11, v2  }
0x140: {  	s15 =	sadd.s32 $0x1, s15;
	v1 =	vadd.f32 v9, v1  }
0x141: {  	p0 =	sne.s32 s15, s7;
	[tilespmem:s16+$0x147D0] =	vst v2  }
.Ltmp3:
0x142: {  	[tilespmem:s16+$0x147C0] =	vst v1;
	(pc) =	sbr.rel @p0 .LBB2_1-.Ltmp3, $4  }
0x143: {  	[hbm4b:s6+s3] =	stream.linear.scatter [tilespmem:s13], [sflag:$0x4], $0x1000, $0x38;
	[tilespmem:$0x15780] =	vst v63  }
0x144: {  	_ =	swait.ge [sflag:s14], $0x1000  }
0x145: {  	[sflag:s14] =	ssyncset.done $0x0  }
0x146: {  	[sflag:s14] =	ssyncadd.s32 $0xFFFFF000  }
0x147: {  	_ =	sfence.sel $0x180000  }
0x148: {  	[bflag:$0x0] =	sbarrier.arrive $0xFFFF  }
0x149: {  	p0 =	sne.s32 s1, $0x0;
	_ =	strace $0x90000047  }
0x14a: {  	s0 =	sadd.s32 @!p0 $0x100000, s0;
	[bflag:$0x2] =	sbarrier.arrive $0xFFFF  }
0x14b: {  	[sflag:s0] =	ssyncadd.tile.s32 @!p0 $0x1;
	_ =	shalt  }
.Lfunc_end2:
_tile_overlayer_lowered:
.L_overlay_start_2:
0x14c: {  	(tag) =	ssettag $0x2  }
0x14d: {  	s0 =	rddreg [dreg:$0x0];
	s2 =	stileid.u32  }
0x14e: {  	s1 =	rddreg [dreg:$0x1];
	p0 =	sne.s32 s2, $0x0  }
0x14f: {  	s3 =	rddreg [dreg:$0x2];
	[bflag:$0x3] =	sbarrier.arrive $0xFFFF;
	s2 =	simm.s32 @!p0 $0x1C04  }
0x150: {  	[timem:s3], [sflag:s2] =	dma.local @!p0 [hbm:s0], s1  }
0x151: {  	s0 =	simm.s32 @!p0 $0x4  }
0x152: {  	_ =	swait.ge @!p0 [sflag:s0], s1  }
0x153: {  	s1 =	ssub.s32 @!p0 $0x0, s1;
	[sflag:s0] =	ssyncset.done @!p0 $0x0  }
0x154: {  	[sflag:s0] =	ssyncadd.s32 @!p0 s1  }
0x155: {  	[bflag:$0x3] =	sbarrier.arrive $0xFFFF  }
0x156: {  	_ =	shalt  }

</sc_bundles>
